<compile_context>
chip_gen: v7x
topology: tpu7x:2x2x1
jax: 0.10.2.dev20260603
libtpu: 0.0.44.dev20260713+nightly
codegen_flags: <defaults>
</compile_context>

<pallas_src>
import functools

import jax
import jax.numpy as jnp
from jax import lax
from jax.experimental import pallas as pl
from jax.experimental.pallas import tpu as pltpu
from jax.experimental.pallas import tpu_sc as plsc

_D = 64
_NC = 2
_NS = 16
_NW = _NC * _NS
_C = 640
_G = 128
_NB = 2
_BB = 512
_K = 4


@functools.partial(jax.jit, static_argnums=(2, 3))
def _sc_gather(idx_flat, table, rows, row0):
    b_per_w = rows // _NW
    n_chunks = b_per_w // _C

    @functools.partial(
        pl.kernel,
        out_type=jax.ShapeDtypeStruct((rows, _D), jnp.float32),
        mesh=plsc.VectorSubcoreMesh(core_axis_name="c", subcore_axis_name="s"),
        scratch_types=[
            pltpu.VMEM((b_per_w,), jnp.int32),
            pltpu.VMEM((_NB, _C, _D), jnp.float32),
            pltpu.SemaphoreType.DMA,
            pltpu.SemaphoreType.DMA,
        ],
        compiler_params=pltpu.CompilerParams(use_tc_tiling_on_sc=False),
    )
    def body(idx_hbm, table_hbm, out_hbm, idx_v, rows_v, gsem, ssem):
        wid = lax.axis_index("s") * _NC + lax.axis_index("c")
        base = wid * b_per_w
        pltpu.sync_copy(idx_hbm.at[pl.ds(row0 + base, b_per_w)], idx_v)

        def issue_gathers(g, bf):
            ioff = pl.multiple_of(g * _C, 8)
            return [
                pltpu.async_copy(
                    table_hbm.at[idx_v.at[pl.ds(ioff + j * _G, _G)]],
                    rows_v.at[bf].at[pl.ds(j * _G, _G)],
                    gsem,
                )
                for j in range(_C // _G)
            ]

        def issue_store(g, bf):
            off = pl.multiple_of(base + g * _C, 8)
            pltpu.async_copy(rows_v.at[bf], out_hbm.at[pl.ds(off, _C)], ssem)

        def drain_store():
            pltpu.make_async_copy(
                rows_v.at[0], out_hbm.at[pl.ds(base, _C)], ssem
            ).wait()

        for bf in range(_NB):
            for cp in issue_gathers(bf, bf):
                cp.wait()
            issue_store(bf, bf)

        def steady(t, carry):
            for bf in range(_NB):
                g = _NB * t + bf
                drain_store()
                for cp in issue_gathers(g, bf):
                    cp.wait()
                issue_store(g, bf)
            return carry

        lax.fori_loop(1, n_chunks // _NB, steady, 0)

        for _ in range(_NB):
            drain_store()

    return body(idx_flat, table)


def _tc_transpose_chunk(a, acc, b, hd, col_block0, nsteps):
    m = hd // 128
    rows_per_step = _BB * m

    if acc is None:
        def body(a_ref, o_ref):
            x = a_ref[...]
            x3 = x.reshape(_BB, m, 128)
            for j in range(m):
                o_ref[pl.ds(j * 128, 128), :] = jnp.transpose(x3[:, j, :], (1, 0))

        return pl.pallas_call(
            body,
            grid=(nsteps,),
            in_specs=[pl.BlockSpec((rows_per_step, 128), lambda i: (i, 0))],
            out_specs=pl.BlockSpec(
                (hd, _BB), lambda i, o=col_block0: (0, o + i)
            ),
            out_shape=jax.ShapeDtypeStruct((hd, b), jnp.float32),
        )(a)

    def body2(a_ref, acc_ref, o_ref):
        x = a_ref[...]
        x3 = x.reshape(_BB, m, 128)
        for j in range(m):
            o_ref[pl.ds(j * 128, 128), :] = jnp.transpose(x3[:, j, :], (1, 0))

    return pl.pallas_call(
        body2,
        grid=(nsteps,),
        in_specs=[
            pl.BlockSpec((rows_per_step, 128), lambda i: (i, 0)),
            pl.BlockSpec(memory_space=pl.ANY),
        ],
        out_specs=pl.BlockSpec((hd, _BB), lambda i, o=col_block0: (0, o + i)),
        out_shape=jax.ShapeDtypeStruct((hd, b), jnp.float32),
        input_output_aliases={1: 0},
    )(a, acc)


def kernel(timesteps, pe):
    b, h = timesteps.shape
    d = pe.shape[1]
    hd = h * d
    flat = timesteps.reshape(-1)
    total = b * h
    rows_k = total // _K
    bk = b // _K
    nsteps = bk // _BB

    gathered = [
        _sc_gather(flat, pe, rows_k, k * rows_k) for k in range(_K)
    ]
    acc = None
    for k in range(_K):
        a_k = gathered[k].reshape(rows_k * d // 128, 128)
        acc = _tc_transpose_chunk(
            a_k, acc, b, hd, k * nsteps, nsteps
        )
    return jnp.transpose(acc.reshape(h, d, b), (2, 0, 1))

# --- scband reference (transcript-rebuilt; emitter-appended) ---
"""Pipeline reference for scband-sinusoidal-positional-embedding-18571438588413 (READ-ONLY COPY).

The authoritative reference and input builder live on the scoring server;
editing this copy changes nothing except your own understanding.
"""

import math
import jax, jax.numpy as jnp
import numpy as np

MAX_TIMESTEPS = 10000
EMBEDDING_DIM = 64
BATCH = 16384
HIST = 50


def _build_pe():
    position = jnp.arange(MAX_TIMESTEPS, dtype=jnp.float32)[:, None]
    div_term = jnp.exp(jnp.arange(0, EMBEDDING_DIM, 2, dtype=jnp.float32) * (-math.log(10000.0) / EMBEDDING_DIM))
    pe = jnp.zeros((MAX_TIMESTEPS, EMBEDDING_DIM), dtype=jnp.float32)
    pe = pe.at[:, 0::2].set(jnp.sin(position * div_term))
    pe = pe.at[:, 1::2].set(jnp.cos(position * div_term))
    return pe


def setup_inputs(seed: int = 0) -> dict:
    key = jax.random.key(seed)
    timesteps = jax.random.randint(key, (BATCH, HIST), 0, MAX_TIMESTEPS, dtype=jnp.int64 if jax.config.jax_enable_x64 else jnp.int32)
    pe = _build_pe()
    return {"timesteps": timesteps, "pe": pe}


def reference(timesteps, pe):
    # Faithful translation of SinusoidalPositionalEmbedding.forward: self.pe[timesteps]
    return jnp.take(pe, timesteps, axis=0)

if __name__ == "__main__":
    import jax
    _d = setup_inputs()
    print(jax.jit(kernel)(*tuple(_d.values())))

</pallas_src>

<mosaic_0001>
#map = affine_map<(d0, d1) -> (0)>
#map1 = affine_map<(d0, d1) -> (0, 0)>
module attributes {stable_mosaic.version = 14 : i64} {
  func.func @body(%arg0: i32, %arg1: i32, %arg2: memref<819200xi32, #tpu.memory_space<hbm>>, %arg3: memref<10000x64xf32, #tpu.memory_space<hbm>>, %arg4: memref<204800x64xf32, #tpu.memory_space<hbm>>, %arg5: memref<6400xi32, #tpu.memory_space<vmem>>, %arg6: memref<2x640x64xf32, #tpu.memory_space<vmem>>, %arg7: memref<!tpu.dma_semaphore, #tpu.memory_space<semaphore_mem>>, %arg8: memref<!tpu.dma_semaphore, #tpu.memory_space<semaphore_mem>>) attributes {dimension_semantics = [#tpu.dimension_semantics<core_parallel>, #tpu.dimension_semantics<subcore_parallel>], iteration_bounds = array<i64: 2, 16>, scalar_prefetch = 0 : i64, scratch_operands = 4 : i64, tpu.core_type = #tpu.core_type<sc_vector_subcore>, window_params = [{transform_indices = #map}, {transform_indices = #map1}, {transform_indices = #map1}]} {
    %mul3A = arith.constant 2 : i32
    %mul3A_0 = arith.muli %arg1, %mul3A : i32
    %add3A = arith.addi %mul3A_0, %arg0 : i32
    %mul3A_1 = arith.constant 6400 : i32
    %mul3A_2 = arith.muli %add3A, %mul3A_1 : i32
    %add3A_3 = arith.constant 0 : i32
    %add3A_4 = arith.addi %add3A_3, %mul3A_2 : i32
    "tpu.region"() ({
      %run_scoped3A = tpu.sem_alloc : memref<!tpu.dma_semaphore, #tpu.memory_space<semaphore_mem>>
      %dma_start3A_329 = tpu.memref_slice %arg2[%add3A_4] : memref<819200xi32, #tpu.memory_space<hbm>> -> memref<6400xi32, #tpu.memory_space<hbm>>
      %dma_start3A_330 = tpu.memref_slice %arg2[%add3A_4] : memref<819200xi32, #tpu.memory_space<hbm>> -> memref<6400xi32, #tpu.memory_space<hbm>>
      tpu.enqueue_dma source(%dma_start3A_330 : memref<6400xi32, #tpu.memory_space<hbm>>) target(%arg5 : memref<6400xi32, #tpu.memory_space<vmem>>) target_semaphore(%run_scoped3A : memref<!tpu.dma_semaphore, #tpu.memory_space<semaphore_mem>>)
      %dma_wait3A_331 = tpu.memref_slice %arg2[%add3A_4] : memref<819200xi32, #tpu.memory_space<hbm>> -> memref<6400xi32, #tpu.memory_space<hbm>>
      %dma_wait3A_332 = tpu.memref_slice %arg2[%add3A_4] : memref<819200xi32, #tpu.memory_space<hbm>> -> memref<6400xi32, #tpu.memory_space<hbm>>
      tpu.wait_dma2 semaphore(%run_scoped3A : memref<!tpu.dma_semaphore, #tpu.memory_space<semaphore_mem>>) src(%dma_wait3A_332 : memref<6400xi32, #tpu.memory_space<hbm>>) dst(%arg5 : memref<6400xi32, #tpu.memory_space<vmem>>)
      tpu.yield
    }) : () -> ()
    %multiple_of3A = arith.constant 0 : i32
    %multiple_of3A_5 = tpu.assume_multiple %multiple_of3A, 8 : i32
    %add3A_6 = arith.constant 0 : i32
    %add3A_7 = arith.addi %multiple_of3A_5, %add3A_6 : i32
    %dma_start3A = arith.constant 0 : i32
    %dma_start3A_8 = arith.constant 0 : i32
    %dma_start3A_9 = arith.constant 0 : i32
    %dma_start3A_10 = tpu.memref_slice %arg6[%dma_start3A, %dma_start3A_8, %dma_start3A_9] : memref<2x640x64xf32, #tpu.memory_space<vmem>> -> memref<1x640x64xf32, #tpu.memory_space<vmem>>
    %dma_start3A_11 = tpu.memref_squeeze %dma_start3A_10 : memref<1x640x64xf32, #tpu.memory_space<vmem>> -> memref<640x64xf32, #tpu.memory_space<vmem>>
    %dma_start3A_12 = arith.constant 0 : i32
    %dma_start3A_13 = arith.constant 0 : i32
    %dma_start3A_14 = tpu.memref_slice %dma_start3A_11[%dma_start3A_12, %dma_start3A_13] : memref<640x64xf32, #tpu.memory_space<vmem>> -> memref<128x64xf32, #tpu.memory_space<vmem>>
    %dma_start3A_15 = tpu.memref_slice %arg5[%add3A_7] : memref<6400xi32, #tpu.memory_space<vmem>> -> memref<128xi32, #tpu.memory_space<vmem>>
    %dma_start3A_16 = arith.constant 0 : i32
    %dma_start3A_17 = arith.constant 0 : i32
    %dma_start3A_18 = tpu.memref_slice %arg3[%dma_start3A_16, %dma_start3A_17] : memref<10000x64xf32, #tpu.memory_space<hbm>> -> memref<10000x64xf32, #tpu.memory_space<hbm>>
    tpu.enqueue_indirect_dma source(%dma_start3A_18 : memref<10000x64xf32, #tpu.memory_space<hbm>>) target(%dma_start3A_14 : memref<128x64xf32, #tpu.memory_space<vmem>>) offsets(%dma_start3A_15 : memref<128xi32, #tpu.memory_space<vmem>>) semaphore(%arg7 : memref<!tpu.dma_semaphore, #tpu.memory_space<semaphore_mem>>)
    %add3A_19 = arith.constant 128 : i32
    %add3A_20 = arith.addi %multiple_of3A_5, %add3A_19 : i32
    %dma_start3A_21 = arith.constant 0 : i32
    %dma_start3A_22 = arith.constant 0 : i32
    %dma_start3A_23 = arith.constant 0 : i32
    %dma_start3A_24 = tpu.memref_slice %arg6[%dma_start3A_21, %dma_start3A_22, %dma_start3A_23] : memref<2x640x64xf32, #tpu.memory_space<vmem>> -> memref<1x640x64xf32, #tpu.memory_space<vmem>>
    %dma_start3A_25 = tpu.memref_squeeze %dma_start3A_24 : memref<1x640x64xf32, #tpu.memory_space<vmem>> -> memref<640x64xf32, #tpu.memory_space<vmem>>
    %dma_start3A_26 = arith.constant 128 : i32
    %dma_start3A_27 = arith.constant 0 : i32
    %dma_start3A_28 = tpu.memref_slice %dma_start3A_25[%dma_start3A_26, %dma_start3A_27] : memref<640x64xf32, #tpu.memory_space<vmem>> -> memref<128x64xf32, #tpu.memory_space<vmem>>
    %dma_start3A_29 = tpu.memref_slice %arg5[%add3A_20] : memref<6400xi32, #tpu.memory_space<vmem>> -> memref<128xi32, #tpu.memory_space<vmem>>
    %dma_start3A_30 = arith.constant 0 : i32
    %dma_start3A_31 = arith.constant 0 : i32
    %dma_start3A_32 = tpu.memref_slice %arg3[%dma_start3A_30, %dma_start3A_31] : memref<10000x64xf32, #tpu.memory_space<hbm>> -> memref<10000x64xf32, #tpu.memory_space<hbm>>
    tpu.enqueue_indirect_dma source(%dma_start3A_32 : memref<10000x64xf32, #tpu.memory_space<hbm>>) target(%dma_start3A_28 : memref<128x64xf32, #tpu.memory_space<vmem>>) offsets(%dma_start3A_29 : memref<128xi32, #tpu.memory_space<vmem>>) semaphore(%arg7 : memref<!tpu.dma_semaphore, #tpu.memory_space<semaphore_mem>>)
    %add3A_33 = arith.constant 256 : i32
    %add3A_34 = arith.addi %multiple_of3A_5, %add3A_33 : i32
    %dma_start3A_35 = arith.constant 0 : i32
    %dma_start3A_36 = arith.constant 0 : i32
    %dma_start3A_37 = arith.constant 0 : i32
    %dma_start3A_38 = tpu.memref_slice %arg6[%dma_start3A_35, %dma_start3A_36, %dma_start3A_37] : memref<2x640x64xf32, #tpu.memory_space<vmem>> -> memref<1x640x64xf32, #tpu.memory_space<vmem>>
    %dma_start3A_39 = tpu.memref_squeeze %dma_start3A_38 : memref<1x640x64xf32, #tpu.memory_space<vmem>> -> memref<640x64xf32, #tpu.memory_space<vmem>>
    %dma_start3A_40 = arith.constant 256 : i32
    %dma_start3A_41 = arith.constant 0 : i32
    %dma_start3A_42 = tpu.memref_slice %dma_start3A_39[%dma_start3A_40, %dma_start3A_41] : memref<640x64xf32, #tpu.memory_space<vmem>> -> memref<128x64xf32, #tpu.memory_space<vmem>>
    %dma_start3A_43 = tpu.memref_slice %arg5[%add3A_34] : memref<6400xi32, #tpu.memory_space<vmem>> -> memref<128xi32, #tpu.memory_space<vmem>>
    %dma_start3A_44 = arith.constant 0 : i32
    %dma_start3A_45 = arith.constant 0 : i32
    %dma_start3A_46 = tpu.memref_slice %arg3[%dma_start3A_44, %dma_start3A_45] : memref<10000x64xf32, #tpu.memory_space<hbm>> -> memref<10000x64xf32, #tpu.memory_space<hbm>>
    tpu.enqueue_indirect_dma source(%dma_start3A_46 : memref<10000x64xf32, #tpu.memory_space<hbm>>) target(%dma_start3A_42 : memref<128x64xf32, #tpu.memory_space<vmem>>) offsets(%dma_start3A_43 : memref<128xi32, #tpu.memory_space<vmem>>) semaphore(%arg7 : memref<!tpu.dma_semaphore, #tpu.memory_space<semaphore_mem>>)
    %add3A_47 = arith.constant 384 : i32
    %add3A_48 = arith.addi %multiple_of3A_5, %add3A_47 : i32
    %dma_start3A_49 = arith.constant 0 : i32
    %dma_start3A_50 = arith.constant 0 : i32
    %dma_start3A_51 = arith.constant 0 : i32
    %dma_start3A_52 = tpu.memref_slice %arg6[%dma_start3A_49, %dma_start3A_50, %dma_start3A_51] : memref<2x640x64xf32, #tpu.memory_space<vmem>> -> memref<1x640x64xf32, #tpu.memory_space<vmem>>
    %dma_start3A_53 = tpu.memref_squeeze %dma_start3A_52 : memref<1x640x64xf32, #tpu.memory_space<vmem>> -> memref<640x64xf32, #tpu.memory_space<vmem>>
    %dma_start3A_54 = arith.constant 384 : i32
    %dma_start3A_55 = arith.constant 0 : i32
    %dma_start3A_56 = tpu.memref_slice %dma_start3A_53[%dma_start3A_54, %dma_start3A_55] : memref<640x64xf32, #tpu.memory_space<vmem>> -> memref<128x64xf32, #tpu.memory_space<vmem>>
    %dma_start3A_57 = tpu.memref_slice %arg5[%add3A_48] : memref<6400xi32, #tpu.memory_space<vmem>> -> memref<128xi32, #tpu.memory_space<vmem>>
    %dma_start3A_58 = arith.constant 0 : i32
    %dma_start3A_59 = arith.constant 0 : i32
    %dma_start3A_60 = tpu.memref_slice %arg3[%dma_start3A_58, %dma_start3A_59] : memref<10000x64xf32, #tpu.memory_space<hbm>> -> memref<10000x64xf32, #tpu.memory_space<hbm>>
    tpu.enqueue_indirect_dma source(%dma_start3A_60 : memref<10000x64xf32, #tpu.memory_space<hbm>>) target(%dma_start3A_56 : memref<128x64xf32, #tpu.memory_space<vmem>>) offsets(%dma_start3A_57 : memref<128xi32, #tpu.memory_space<vmem>>) semaphore(%arg7 : memref<!tpu.dma_semaphore, #tpu.memory_space<semaphore_mem>>)
    %add3A_61 = arith.constant 512 : i32
    %add3A_62 = arith.addi %multiple_of3A_5, %add3A_61 : i32
    %dma_start3A_63 = arith.constant 0 : i32
    %dma_start3A_64 = arith.constant 0 : i32
    %dma_start3A_65 = arith.constant 0 : i32
    %dma_start3A_66 = tpu.memref_slice %arg6[%dma_start3A_63, %dma_start3A_64, %dma_start3A_65] : memref<2x640x64xf32, #tpu.memory_space<vmem>> -> memref<1x640x64xf32, #tpu.memory_space<vmem>>
    %dma_start3A_67 = tpu.memref_squeeze %dma_start3A_66 : memref<1x640x64xf32, #tpu.memory_space<vmem>> -> memref<640x64xf32, #tpu.memory_space<vmem>>
    %dma_start3A_68 = arith.constant 512 : i32
    %dma_start3A_69 = arith.constant 0 : i32
    %dma_start3A_70 = tpu.memref_slice %dma_start3A_67[%dma_start3A_68, %dma_start3A_69] : memref<640x64xf32, #tpu.memory_space<vmem>> -> memref<128x64xf32, #tpu.memory_space<vmem>>
    %dma_start3A_71 = tpu.memref_slice %arg5[%add3A_62] : memref<6400xi32, #tpu.memory_space<vmem>> -> memref<128xi32, #tpu.memory_space<vmem>>
    %dma_start3A_72 = arith.constant 0 : i32
    %dma_start3A_73 = arith.constant 0 : i32
    %dma_start3A_74 = tpu.memref_slice %arg3[%dma_start3A_72, %dma_start3A_73] : memref<10000x64xf32, #tpu.memory_space<hbm>> -> memref<10000x64xf32, #tpu.memory_space<hbm>>
    tpu.enqueue_indirect_dma source(%dma_start3A_74 : memref<10000x64xf32, #tpu.memory_space<hbm>>) target(%dma_start3A_70 : memref<128x64xf32, #tpu.memory_space<vmem>>) offsets(%dma_start3A_71 : memref<128xi32, #tpu.memory_space<vmem>>) semaphore(%arg7 : memref<!tpu.dma_semaphore, #tpu.memory_space<semaphore_mem>>)
    %dma_wait3A = arith.constant 0 : i32
    %dma_wait3A_75 = arith.constant 0 : i32
    %dma_wait3A_76 = arith.constant 0 : i32
    %dma_wait3A_77 = tpu.memref_slice %arg6[%dma_wait3A, %dma_wait3A_75, %dma_wait3A_76] : memref<2x640x64xf32, #tpu.memory_space<vmem>> -> memref<1x640x64xf32, #tpu.memory_space<vmem>>
    %dma_wait3A_78 = tpu.memref_squeeze %dma_wait3A_77 : memref<1x640x64xf32, #tpu.memory_space<vmem>> -> memref<640x64xf32, #tpu.memory_space<vmem>>
    %dma_wait3A_79 = arith.constant 0 : i32
    %dma_wait3A_80 = arith.constant 0 : i32
    %dma_wait3A_81 = tpu.memref_slice %dma_wait3A_78[%dma_wait3A_79, %dma_wait3A_80] : memref<640x64xf32, #tpu.memory_space<vmem>> -> memref<128x64xf32, #tpu.memory_space<vmem>>
    %dma_wait3A_82 = tpu.memref_slice %arg5[%add3A_7] : memref<6400xi32, #tpu.memory_space<vmem>> -> memref<128xi32, #tpu.memory_space<vmem>>
    %dma_wait3A_83 = arith.constant 0 : i32
    %dma_wait3A_84 = arith.constant 0 : i32
    %dma_wait3A_85 = tpu.memref_slice %arg3[%dma_wait3A_83, %dma_wait3A_84] : memref<10000x64xf32, #tpu.memory_space<hbm>> -> memref<10000x64xf32, #tpu.memory_space<hbm>>
    tpu.wait_indirect_dma semaphore(%arg7 : memref<!tpu.dma_semaphore, #tpu.memory_space<semaphore_mem>>) src(%dma_wait3A_85 : memref<10000x64xf32, #tpu.memory_space<hbm>>) dst(%dma_wait3A_81 : memref<128x64xf32, #tpu.memory_space<vmem>>)
    %dma_wait3A_86 = arith.constant 0 : i32
    %dma_wait3A_87 = arith.constant 0 : i32
    %dma_wait3A_88 = arith.constant 0 : i32
    %dma_wait3A_89 = tpu.memref_slice %arg6[%dma_wait3A_86, %dma_wait3A_87, %dma_wait3A_88] : memref<2x640x64xf32, #tpu.memory_space<vmem>> -> memref<1x640x64xf32, #tpu.memory_space<vmem>>
    %dma_wait3A_90 = tpu.memref_squeeze %dma_wait3A_89 : memref<1x640x64xf32, #tpu.memory_space<vmem>> -> memref<640x64xf32, #tpu.memory_space<vmem>>
    %dma_wait3A_91 = arith.constant 128 : i32
    %dma_wait3A_92 = arith.constant 0 : i32
    %dma_wait3A_93 = tpu.memref_slice %dma_wait3A_90[%dma_wait3A_91, %dma_wait3A_92] : memref<640x64xf32, #tpu.memory_space<vmem>> -> memref<128x64xf32, #tpu.memory_space<vmem>>
    %dma_wait3A_94 = tpu.memref_slice %arg5[%add3A_20] : memref<6400xi32, #tpu.memory_space<vmem>> -> memref<128xi32, #tpu.memory_space<vmem>>
    %dma_wait3A_95 = arith.constant 0 : i32
    %dma_wait3A_96 = arith.constant 0 : i32
    %dma_wait3A_97 = tpu.memref_slice %arg3[%dma_wait3A_95, %dma_wait3A_96] : memref<10000x64xf32, #tpu.memory_space<hbm>> -> memref<10000x64xf32, #tpu.memory_space<hbm>>
    tpu.wait_indirect_dma semaphore(%arg7 : memref<!tpu.dma_semaphore, #tpu.memory_space<semaphore_mem>>) src(%dma_wait3A_97 : memref<10000x64xf32, #tpu.memory_space<hbm>>) dst(%dma_wait3A_93 : memref<128x64xf32, #tpu.memory_space<vmem>>)
    %dma_wait3A_98 = arith.constant 0 : i32
    %dma_wait3A_99 = arith.constant 0 : i32
    %dma_wait3A_100 = arith.constant 0 : i32
    %dma_wait3A_101 = tpu.memref_slice %arg6[%dma_wait3A_98, %dma_wait3A_99, %dma_wait3A_100] : memref<2x640x64xf32, #tpu.memory_space<vmem>> -> memref<1x640x64xf32, #tpu.memory_space<vmem>>
    %dma_wait3A_102 = tpu.memref_squeeze %dma_wait3A_101 : memref<1x640x64xf32, #tpu.memory_space<vmem>> -> memref<640x64xf32, #tpu.memory_space<vmem>>
    %dma_wait3A_103 = arith.constant 256 : i32
    %dma_wait3A_104 = arith.constant 0 : i32
    %dma_wait3A_105 = tpu.memref_slice %dma_wait3A_102[%dma_wait3A_103, %dma_wait3A_104] : memref<640x64xf32, #tpu.memory_space<vmem>> -> memref<128x64xf32, #tpu.memory_space<vmem>>
    %dma_wait3A_106 = tpu.memref_slice %arg5[%add3A_34] : memref<6400xi32, #tpu.memory_space<vmem>> -> memref<128xi32, #tpu.memory_space<vmem>>
    %dma_wait3A_107 = arith.constant 0 : i32
    %dma_wait3A_108 = arith.constant 0 : i32
    %dma_wait3A_109 = tpu.memref_slice %arg3[%dma_wait3A_107, %dma_wait3A_108] : memref<10000x64xf32, #tpu.memory_space<hbm>> -> memref<10000x64xf32, #tpu.memory_space<hbm>>
    tpu.wait_indirect_dma semaphore(%arg7 : memref<!tpu.dma_semaphore, #tpu.memory_space<semaphore_mem>>) src(%dma_wait3A_109 : memref<10000x64xf32, #tpu.memory_space<hbm>>) dst(%dma_wait3A_105 : memref<128x64xf32, #tpu.memory_space<vmem>>)
    %dma_wait3A_110 = arith.constant 0 : i32
    %dma_wait3A_111 = arith.constant 0 : i32
    %dma_wait3A_112 = arith.constant 0 : i32
    %dma_wait3A_113 = tpu.memref_slice %arg6[%dma_wait3A_110, %dma_wait3A_111, %dma_wait3A_112] : memref<2x640x64xf32, #tpu.memory_space<vmem>> -> memref<1x640x64xf32, #tpu.memory_space<vmem>>
    %dma_wait3A_114 = tpu.memref_squeeze %dma_wait3A_113 : memref<1x640x64xf32, #tpu.memory_space<vmem>> -> memref<640x64xf32, #tpu.memory_space<vmem>>
    %dma_wait3A_115 = arith.constant 384 : i32
    %dma_wait3A_116 = arith.constant 0 : i32
    %dma_wait3A_117 = tpu.memref_slice %dma_wait3A_114[%dma_wait3A_115, %dma_wait3A_116] : memref<640x64xf32, #tpu.memory_space<vmem>> -> memref<128x64xf32, #tpu.memory_space<vmem>>
    %dma_wait3A_118 = tpu.memref_slice %arg5[%add3A_48] : memref<6400xi32, #tpu.memory_space<vmem>> -> memref<128xi32, #tpu.memory_space<vmem>>
    %dma_wait3A_119 = arith.constant 0 : i32
    %dma_wait3A_120 = arith.constant 0 : i32
    %dma_wait3A_121 = tpu.memref_slice %arg3[%dma_wait3A_119, %dma_wait3A_120] : memref<10000x64xf32, #tpu.memory_space<hbm>> -> memref<10000x64xf32, #tpu.memory_space<hbm>>
    tpu.wait_indirect_dma semaphore(%arg7 : memref<!tpu.dma_semaphore, #tpu.memory_space<semaphore_mem>>) src(%dma_wait3A_121 : memref<10000x64xf32, #tpu.memory_space<hbm>>) dst(%dma_wait3A_117 : memref<128x64xf32, #tpu.memory_space<vmem>>)
    %dma_wait3A_122 = arith.constant 0 : i32
    %dma_wait3A_123 = arith.constant 0 : i32
    %dma_wait3A_124 = arith.constant 0 : i32
    %dma_wait3A_125 = tpu.memref_slice %arg6[%dma_wait3A_122, %dma_wait3A_123, %dma_wait3A_124] : memref<2x640x64xf32, #tpu.memory_space<vmem>> -> memref<1x640x64xf32, #tpu.memory_space<vmem>>
    %dma_wait3A_126 = tpu.memref_squeeze %dma_wait3A_125 : memref<1x640x64xf32, #tpu.memory_space<vmem>> -> memref<640x64xf32, #tpu.memory_space<vmem>>
    %dma_wait3A_127 = arith.constant 512 : i32
    %dma_wait3A_128 = arith.constant 0 : i32
    %dma_wait3A_129 = tpu.memref_slice %dma_wait3A_126[%dma_wait3A_127, %dma_wait3A_128] : memref<640x64xf32, #tpu.memory_space<vmem>> -> memref<128x64xf32, #tpu.memory_space<vmem>>
    %dma_wait3A_130 = tpu.memref_slice %arg5[%add3A_62] : memref<6400xi32, #tpu.memory_space<vmem>> -> memref<128xi32, #tpu.memory_space<vmem>>
    %dma_wait3A_131 = arith.constant 0 : i32
    %dma_wait3A_132 = arith.constant 0 : i32
    %dma_wait3A_133 = tpu.memref_slice %arg3[%dma_wait3A_131, %dma_wait3A_132] : memref<10000x64xf32, #tpu.memory_space<hbm>> -> memref<10000x64xf32, #tpu.memory_space<hbm>>
    tpu.wait_indirect_dma semaphore(%arg7 : memref<!tpu.dma_semaphore, #tpu.memory_space<semaphore_mem>>) src(%dma_wait3A_133 : memref<10000x64xf32, #tpu.memory_space<hbm>>) dst(%dma_wait3A_129 : memref<128x64xf32, #tpu.memory_space<vmem>>)
    %add3A_134 = arith.constant 0 : i32
    %add3A_135 = arith.addi %mul3A_2, %add3A_134 : i32
    %multiple_of3A_136 = tpu.assume_multiple %add3A_135, 8 : i32
    %dma_start3A_137 = arith.constant 0 : i32
    %dma_start3A_138 = arith.constant 0 : i32
    %dma_start3A_139 = arith.constant 0 : i32
    %dma_start3A_140 = tpu.memref_slice %arg6[%dma_start3A_137, %dma_start3A_138, %dma_start3A_139] : memref<2x640x64xf32, #tpu.memory_space<vmem>> -> memref<1x640x64xf32, #tpu.memory_space<vmem>>
    %dma_start3A_141 = tpu.memref_squeeze %dma_start3A_140 : memref<1x640x64xf32, #tpu.memory_space<vmem>> -> memref<640x64xf32, #tpu.memory_space<vmem>>
    %dma_start3A_142 = arith.constant 0 : i32
    %dma_start3A_143 = tpu.memref_slice %arg4[%multiple_of3A_136, %dma_start3A_142] : memref<204800x64xf32, #tpu.memory_space<hbm>> -> memref<640x64xf32, #tpu.memory_space<hbm>>
    %dma_start3A_144 = arith.constant 0 : i32
    %dma_start3A_145 = tpu.memref_slice %arg4[%multiple_of3A_136, %dma_start3A_144] : memref<204800x64xf32, #tpu.memory_space<hbm>> -> memref<640x64xf32, #tpu.memory_space<hbm>>
    %dma_start3A_146 = arith.constant 0 : i32
    %dma_start3A_147 = arith.constant 0 : i32
    %dma_start3A_148 = tpu.memref_slice %arg6[%dma_start3A_137, %dma_start3A_146, %dma_start3A_147] : memref<2x640x64xf32, #tpu.memory_space<vmem>> -> memref<1x640x64xf32, #tpu.memory_space<vmem>>
    %dma_start3A_149 = tpu.memref_squeeze %dma_start3A_148 : memref<1x640x64xf32, #tpu.memory_space<vmem>> -> memref<640x64xf32, #tpu.memory_space<vmem>>
    tpu.enqueue_dma source(%dma_start3A_149 : memref<640x64xf32, #tpu.memory_space<vmem>>) target(%dma_start3A_145 : memref<640x64xf32, #tpu.memory_space<hbm>>) target_semaphore(%arg8 : memref<!tpu.dma_semaphore, #tpu.memory_space<semaphore_mem>>)
    %multiple_of3A_150 = arith.constant 640 : i32
    %multiple_of3A_151 = tpu.assume_multiple %multiple_of3A_150, 8 : i32
    %add3A_152 = arith.constant 0 : i32
    %add3A_153 = arith.addi %multiple_of3A_151, %add3A_152 : i32
    %dma_start3A_154 = arith.constant 1 : i32
    %dma_start3A_155 = arith.constant 0 : i32
    %dma_start3A_156 = arith.constant 0 : i32
    %dma_start3A_157 = tpu.memref_slice %arg6[%dma_start3A_154, %dma_start3A_155, %dma_start3A_156] : memref<2x640x64xf32, #tpu.memory_space<vmem>> -> memref<1x640x64xf32, #tpu.memory_space<vmem>>
    %dma_start3A_158 = tpu.memref_squeeze %dma_start3A_157 : memref<1x640x64xf32, #tpu.memory_space<vmem>> -> memref<640x64xf32, #tpu.memory_space<vmem>>
    %dma_start3A_159 = arith.constant 0 : i32
    %dma_start3A_160 = arith.constant 0 : i32
    %dma_start3A_161 = tpu.memref_slice %dma_start3A_158[%dma_start3A_159, %dma_start3A_160] : memref<640x64xf32, #tpu.memory_space<vmem>> -> memref<128x64xf32, #tpu.memory_space<vmem>>
    %dma_start3A_162 = tpu.memref_slice %arg5[%add3A_153] : memref<6400xi32, #tpu.memory_space<vmem>> -> memref<128xi32, #tpu.memory_space<vmem>>
    %dma_start3A_163 = arith.constant 0 : i32
    %dma_start3A_164 = arith.constant 0 : i32
    %dma_start3A_165 = tpu.memref_slice %arg3[%dma_start3A_163, %dma_start3A_164] : memref<10000x64xf32, #tpu.memory_space<hbm>> -> memref<10000x64xf32, #tpu.memory_space<hbm>>
    tpu.enqueue_indirect_dma source(%dma_start3A_165 : memref<10000x64xf32, #tpu.memory_space<hbm>>) target(%dma_start3A_161 : memref<128x64xf32, #tpu.memory_space<vmem>>) offsets(%dma_start3A_162 : memref<128xi32, #tpu.memory_space<vmem>>) semaphore(%arg7 : memref<!tpu.dma_semaphore, #tpu.memory_space<semaphore_mem>>)
    %add3A_166 = arith.constant 128 : i32
    %add3A_167 = arith.addi %multiple_of3A_151, %add3A_166 : i32
    %dma_start3A_168 = arith.constant 1 : i32
    %dma_start3A_169 = arith.constant 0 : i32
    %dma_start3A_170 = arith.constant 0 : i32
    %dma_start3A_171 = tpu.memref_slice %arg6[%dma_start3A_168, %dma_start3A_169, %dma_start3A_170] : memref<2x640x64xf32, #tpu.memory_space<vmem>> -> memref<1x640x64xf32, #tpu.memory_space<vmem>>
    %dma_start3A_172 = tpu.memref_squeeze %dma_start3A_171 : memref<1x640x64xf32, #tpu.memory_space<vmem>> -> memref<640x64xf32, #tpu.memory_space<vmem>>
    %dma_start3A_173 = arith.constant 128 : i32
    %dma_start3A_174 = arith.constant 0 : i32
    %dma_start3A_175 = tpu.memref_slice %dma_start3A_172[%dma_start3A_173, %dma_start3A_174] : memref<640x64xf32, #tpu.memory_space<vmem>> -> memref<128x64xf32, #tpu.memory_space<vmem>>
    %dma_start3A_176 = tpu.memref_slice %arg5[%add3A_167] : memref<6400xi32, #tpu.memory_space<vmem>> -> memref<128xi32, #tpu.memory_space<vmem>>
    %dma_start3A_177 = arith.constant 0 : i32
    %dma_start3A_178 = arith.constant 0 : i32
    %dma_start3A_179 = tpu.memref_slice %arg3[%dma_start3A_177, %dma_start3A_178] : memref<10000x64xf32, #tpu.memory_space<hbm>> -> memref<10000x64xf32, #tpu.memory_space<hbm>>
    tpu.enqueue_indirect_dma source(%dma_start3A_179 : memref<10000x64xf32, #tpu.memory_space<hbm>>) target(%dma_start3A_175 : memref<128x64xf32, #tpu.memory_space<vmem>>) offsets(%dma_start3A_176 : memref<128xi32, #tpu.memory_space<vmem>>) semaphore(%arg7 : memref<!tpu.dma_semaphore, #tpu.memory_space<semaphore_mem>>)
    %add3A_180 = arith.constant 256 : i32
    %add3A_181 = arith.addi %multiple_of3A_151, %add3A_180 : i32
    %dma_start3A_182 = arith.constant 1 : i32
    %dma_start3A_183 = arith.constant 0 : i32
    %dma_start3A_184 = arith.constant 0 : i32
    %dma_start3A_185 = tpu.memref_slice %arg6[%dma_start3A_182, %dma_start3A_183, %dma_start3A_184] : memref<2x640x64xf32, #tpu.memory_space<vmem>> -> memref<1x640x64xf32, #tpu.memory_space<vmem>>
    %dma_start3A_186 = tpu.memref_squeeze %dma_start3A_185 : memref<1x640x64xf32, #tpu.memory_space<vmem>> -> memref<640x64xf32, #tpu.memory_space<vmem>>
    %dma_start3A_187 = arith.constant 256 : i32
    %dma_start3A_188 = arith.constant 0 : i32
    %dma_start3A_189 = tpu.memref_slice %dma_start3A_186[%dma_start3A_187, %dma_start3A_188] : memref<640x64xf32, #tpu.memory_space<vmem>> -> memref<128x64xf32, #tpu.memory_space<vmem>>
    %dma_start3A_190 = tpu.memref_slice %arg5[%add3A_181] : memref<6400xi32, #tpu.memory_space<vmem>> -> memref<128xi32, #tpu.memory_space<vmem>>
    %dma_start3A_191 = arith.constant 0 : i32
    %dma_start3A_192 = arith.constant 0 : i32
    %dma_start3A_193 = tpu.memref_slice %arg3[%dma_start3A_191, %dma_start3A_192] : memref<10000x64xf32, #tpu.memory_space<hbm>> -> memref<10000x64xf32, #tpu.memory_space<hbm>>
    tpu.enqueue_indirect_dma source(%dma_start3A_193 : memref<10000x64xf32, #tpu.memory_space<hbm>>) target(%dma_start3A_189 : memref<128x64xf32, #tpu.memory_space<vmem>>) offsets(%dma_start3A_190 : memref<128xi32, #tpu.memory_space<vmem>>) semaphore(%arg7 : memref<!tpu.dma_semaphore, #tpu.memory_space<semaphore_mem>>)
    %add3A_194 = arith.constant 384 : i32
    %add3A_195 = arith.addi %multiple_of3A_151, %add3A_194 : i32
    %dma_start3A_196 = arith.constant 1 : i32
    %dma_start3A_197 = arith.constant 0 : i32
    %dma_start3A_198 = arith.constant 0 : i32
    %dma_start3A_199 = tpu.memref_slice %arg6[%dma_start3A_196, %dma_start3A_197, %dma_start3A_198] : memref<2x640x64xf32, #tpu.memory_space<vmem>> -> memref<1x640x64xf32, #tpu.memory_space<vmem>>
    %dma_start3A_200 = tpu.memref_squeeze %dma_start3A_199 : memref<1x640x64xf32, #tpu.memory_space<vmem>> -> memref<640x64xf32, #tpu.memory_space<vmem>>
    %dma_start3A_201 = arith.constant 384 : i32
    %dma_start3A_202 = arith.constant 0 : i32
    %dma_start3A_203 = tpu.memref_slice %dma_start3A_200[%dma_start3A_201, %dma_start3A_202] : memref<640x64xf32, #tpu.memory_space<vmem>> -> memref<128x64xf32, #tpu.memory_space<vmem>>
    %dma_start3A_204 = tpu.memref_slice %arg5[%add3A_195] : memref<6400xi32, #tpu.memory_space<vmem>> -> memref<128xi32, #tpu.memory_space<vmem>>
    %dma_start3A_205 = arith.constant 0 : i32
    %dma_start3A_206 = arith.constant 0 : i32
    %dma_start3A_207 = tpu.memref_slice %arg3[%dma_start3A_205, %dma_start3A_206] : memref<10000x64xf32, #tpu.memory_space<hbm>> -> memref<10000x64xf32, #tpu.memory_space<hbm>>
    tpu.enqueue_indirect_dma source(%dma_start3A_207 : memref<10000x64xf32, #tpu.memory_space<hbm>>) target(%dma_start3A_203 : memref<128x64xf32, #tpu.memory_space<vmem>>) offsets(%dma_start3A_204 : memref<128xi32, #tpu.memory_space<vmem>>) semaphore(%arg7 : memref<!tpu.dma_semaphore, #tpu.memory_space<semaphore_mem>>)
    %add3A_208 = arith.constant 512 : i32
    %add3A_209 = arith.addi %multiple_of3A_151, %add3A_208 : i32
    %dma_start3A_210 = arith.constant 1 : i32
    %dma_start3A_211 = arith.constant 0 : i32
    %dma_start3A_212 = arith.constant 0 : i32
    %dma_start3A_213 = tpu.memref_slice %arg6[%dma_start3A_210, %dma_start3A_211, %dma_start3A_212] : memref<2x640x64xf32, #tpu.memory_space<vmem>> -> memref<1x640x64xf32, #tpu.memory_space<vmem>>
    %dma_start3A_214 = tpu.memref_squeeze %dma_start3A_213 : memref<1x640x64xf32, #tpu.memory_space<vmem>> -> memref<640x64xf32, #tpu.memory_space<vmem>>
    %dma_start3A_215 = arith.constant 512 : i32
    %dma_start3A_216 = arith.constant 0 : i32
    %dma_start3A_217 = tpu.memref_slice %dma_start3A_214[%dma_start3A_215, %dma_start3A_216] : memref<640x64xf32, #tpu.memory_space<vmem>> -> memref<128x64xf32, #tpu.memory_space<vmem>>
    %dma_start3A_218 = tpu.memref_slice %arg5[%add3A_209] : memref<6400xi32, #tpu.memory_space<vmem>> -> memref<128xi32, #tpu.memory_space<vmem>>
    %dma_start3A_219 = arith.constant 0 : i32
    %dma_start3A_220 = arith.constant 0 : i32
    %dma_start3A_221 = tpu.memref_slice %arg3[%dma_start3A_219, %dma_start3A_220] : memref<10000x64xf32, #tpu.memory_space<hbm>> -> memref<10000x64xf32, #tpu.memory_space<hbm>>
    tpu.enqueue_indirect_dma source(%dma_start3A_221 : memref<10000x64xf32, #tpu.memory_space<hbm>>) target(%dma_start3A_217 : memref<128x64xf32, #tpu.memory_space<vmem>>) offsets(%dma_start3A_218 : memref<128xi32, #tpu.memory_space<vmem>>) semaphore(%arg7 : memref<!tpu.dma_semaphore, #tpu.memory_space<semaphore_mem>>)
    %dma_wait3A_222 = arith.constant 1 : i32
    %dma_wait3A_223 = arith.constant 0 : i32
    %dma_wait3A_224 = arith.constant 0 : i32
    %dma_wait3A_225 = tpu.memref_slice %arg6[%dma_wait3A_222, %dma_wait3A_223, %dma_wait3A_224] : memref<2x640x64xf32, #tpu.memory_space<vmem>> -> memref<1x640x64xf32, #tpu.memory_space<vmem>>
    %dma_wait3A_226 = tpu.memref_squeeze %dma_wait3A_225 : memref<1x640x64xf32, #tpu.memory_space<vmem>> -> memref<640x64xf32, #tpu.memory_space<vmem>>
    %dma_wait3A_227 = arith.constant 0 : i32
    %dma_wait3A_228 = arith.constant 0 : i32
    %dma_wait3A_229 = tpu.memref_slice %dma_wait3A_226[%dma_wait3A_227, %dma_wait3A_228] : memref<640x64xf32, #tpu.memory_space<vmem>> -> memref<128x64xf32, #tpu.memory_space<vmem>>
    %dma_wait3A_230 = tpu.memref_slice %arg5[%add3A_153] : memref<6400xi32, #tpu.memory_space<vmem>> -> memref<128xi32, #tpu.memory_space<vmem>>
    %dma_wait3A_231 = arith.constant 0 : i32
    %dma_wait3A_232 = arith.constant 0 : i32
    %dma_wait3A_233 = tpu.memref_slice %arg3[%dma_wait3A_231, %dma_wait3A_232] : memref<10000x64xf32, #tpu.memory_space<hbm>> -> memref<10000x64xf32, #tpu.memory_space<hbm>>
    tpu.wait_indirect_dma semaphore(%arg7 : memref<!tpu.dma_semaphore, #tpu.memory_space<semaphore_mem>>) src(%dma_wait3A_233 : memref<10000x64xf32, #tpu.memory_space<hbm>>) dst(%dma_wait3A_229 : memref<128x64xf32, #tpu.memory_space<vmem>>)
    %dma_wait3A_234 = arith.constant 1 : i32
    %dma_wait3A_235 = arith.constant 0 : i32
    %dma_wait3A_236 = arith.constant 0 : i32
    %dma_wait3A_237 = tpu.memref_slice %arg6[%dma_wait3A_234, %dma_wait3A_235, %dma_wait3A_236] : memref<2x640x64xf32, #tpu.memory_space<vmem>> -> memref<1x640x64xf32, #tpu.memory_space<vmem>>
    %dma_wait3A_238 = tpu.memref_squeeze %dma_wait3A_237 : memref<1x640x64xf32, #tpu.memory_space<vmem>> -> memref<640x64xf32, #tpu.memory_space<vmem>>
    %dma_wait3A_239 = arith.constant 128 : i32
    %dma_wait3A_240 = arith.constant 0 : i32
    %dma_wait3A_241 = tpu.memref_slice %dma_wait3A_238[%dma_wait3A_239, %dma_wait3A_240] : memref<640x64xf32, #tpu.memory_space<vmem>> -> memref<128x64xf32, #tpu.memory_space<vmem>>
    %dma_wait3A_242 = tpu.memref_slice %arg5[%add3A_167] : memref<6400xi32, #tpu.memory_space<vmem>> -> memref<128xi32, #tpu.memory_space<vmem>>
    %dma_wait3A_243 = arith.constant 0 : i32
    %dma_wait3A_244 = arith.constant 0 : i32
    %dma_wait3A_245 = tpu.memref_slice %arg3[%dma_wait3A_243, %dma_wait3A_244] : memref<10000x64xf32, #tpu.memory_space<hbm>> -> memref<10000x64xf32, #tpu.memory_space<hbm>>
    tpu.wait_indirect_dma semaphore(%arg7 : memref<!tpu.dma_semaphore, #tpu.memory_space<semaphore_mem>>) src(%dma_wait3A_245 : memref<10000x64xf32, #tpu.memory_space<hbm>>) dst(%dma_wait3A_241 : memref<128x64xf32, #tpu.memory_space<vmem>>)
    %dma_wait3A_246 = arith.constant 1 : i32
    %dma_wait3A_247 = arith.constant 0 : i32
    %dma_wait3A_248 = arith.constant 0 : i32
    %dma_wait3A_249 = tpu.memref_slice %arg6[%dma_wait3A_246, %dma_wait3A_247, %dma_wait3A_248] : memref<2x640x64xf32, #tpu.memory_space<vmem>> -> memref<1x640x64xf32, #tpu.memory_space<vmem>>
    %dma_wait3A_250 = tpu.memref_squeeze %dma_wait3A_249 : memref<1x640x64xf32, #tpu.memory_space<vmem>> -> memref<640x64xf32, #tpu.memory_space<vmem>>
    %dma_wait3A_251 = arith.constant 256 : i32
    %dma_wait3A_252 = arith.constant 0 : i32
    %dma_wait3A_253 = tpu.memref_slice %dma_wait3A_250[%dma_wait3A_251, %dma_wait3A_252] : memref<640x64xf32, #tpu.memory_space<vmem>> -> memref<128x64xf32, #tpu.memory_space<vmem>>
    %dma_wait3A_254 = tpu.memref_slice %arg5[%add3A_181] : memref<6400xi32, #tpu.memory_space<vmem>> -> memref<128xi32, #tpu.memory_space<vmem>>
    %dma_wait3A_255 = arith.constant 0 : i32
    %dma_wait3A_256 = arith.constant 0 : i32
    %dma_wait3A_257 = tpu.memref_slice %arg3[%dma_wait3A_255, %dma_wait3A_256] : memref<10000x64xf32, #tpu.memory_space<hbm>> -> memref<10000x64xf32, #tpu.memory_space<hbm>>
    tpu.wait_indirect_dma semaphore(%arg7 : memref<!tpu.dma_semaphore, #tpu.memory_space<semaphore_mem>>) src(%dma_wait3A_257 : memref<10000x64xf32, #tpu.memory_space<hbm>>) dst(%dma_wait3A_253 : memref<128x64xf32, #tpu.memory_space<vmem>>)
    %dma_wait3A_258 = arith.constant 1 : i32
    %dma_wait3A_259 = arith.constant 0 : i32
    %dma_wait3A_260 = arith.constant 0 : i32
    %dma_wait3A_261 = tpu.memref_slice %arg6[%dma_wait3A_258, %dma_wait3A_259, %dma_wait3A_260] : memref<2x640x64xf32, #tpu.memory_space<vmem>> -> memref<1x640x64xf32, #tpu.memory_space<vmem>>
    %dma_wait3A_262 = tpu.memref_squeeze %dma_wait3A_261 : memref<1x640x64xf32, #tpu.memory_space<vmem>> -> memref<640x64xf32, #tpu.memory_space<vmem>>
    %dma_wait3A_263 = arith.constant 384 : i32
    %dma_wait3A_264 = arith.constant 0 : i32
    %dma_wait3A_265 = tpu.memref_slice %dma_wait3A_262[%dma_wait3A_263, %dma_wait3A_264] : memref<640x64xf32, #tpu.memory_space<vmem>> -> memref<128x64xf32, #tpu.memory_space<vmem>>
    %dma_wait3A_266 = tpu.memref_slice %arg5[%add3A_195] : memref<6400xi32, #tpu.memory_space<vmem>> -> memref<128xi32, #tpu.memory_space<vmem>>
    %dma_wait3A_267 = arith.constant 0 : i32
    %dma_wait3A_268 = arith.constant 0 : i32
    %dma_wait3A_269 = tpu.memref_slice %arg3[%dma_wait3A_267, %dma_wait3A_268] : memref<10000x64xf32, #tpu.memory_space<hbm>> -> memref<10000x64xf32, #tpu.memory_space<hbm>>
    tpu.wait_indirect_dma semaphore(%arg7 : memref<!tpu.dma_semaphore, #tpu.memory_space<semaphore_mem>>) src(%dma_wait3A_269 : memref<10000x64xf32, #tpu.memory_space<hbm>>) dst(%dma_wait3A_265 : memref<128x64xf32, #tpu.memory_space<vmem>>)
    %dma_wait3A_270 = arith.constant 1 : i32
    %dma_wait3A_271 = arith.constant 0 : i32
    %dma_wait3A_272 = arith.constant 0 : i32
    %dma_wait3A_273 = tpu.memref_slice %arg6[%dma_wait3A_270, %dma_wait3A_271, %dma_wait3A_272] : memref<2x640x64xf32, #tpu.memory_space<vmem>> -> memref<1x640x64xf32, #tpu.memory_space<vmem>>
    %dma_wait3A_274 = tpu.memref_squeeze %dma_wait3A_273 : memref<1x640x64xf32, #tpu.memory_space<vmem>> -> memref<640x64xf32, #tpu.memory_space<vmem>>
    %dma_wait3A_275 = arith.constant 512 : i32
    %dma_wait3A_276 = arith.constant 0 : i32
    %dma_wait3A_277 = tpu.memref_slice %dma_wait3A_274[%dma_wait3A_275, %dma_wait3A_276] : memref<640x64xf32, #tpu.memory_space<vmem>> -> memref<128x64xf32, #tpu.memory_space<vmem>>
    %dma_wait3A_278 = tpu.memref_slice %arg5[%add3A_209] : memref<6400xi32, #tpu.memory_space<vmem>> -> memref<128xi32, #tpu.memory_space<vmem>>
    %dma_wait3A_279 = arith.constant 0 : i32
    %dma_wait3A_280 = arith.constant 0 : i32
    %dma_wait3A_281 = tpu.memref_slice %arg3[%dma_wait3A_279, %dma_wait3A_280] : memref<10000x64xf32, #tpu.memory_space<hbm>> -> memref<10000x64xf32, #tpu.memory_space<hbm>>
    tpu.wait_indirect_dma semaphore(%arg7 : memref<!tpu.dma_semaphore, #tpu.memory_space<semaphore_mem>>) src(%dma_wait3A_281 : memref<10000x64xf32, #tpu.memory_space<hbm>>) dst(%dma_wait3A_277 : memref<128x64xf32, #tpu.memory_space<vmem>>)
    %add3A_282 = arith.constant 640 : i32
    %add3A_283 = arith.addi %mul3A_2, %add3A_282 : i32
    %multiple_of3A_284 = tpu.assume_multiple %add3A_283, 8 : i32
    %dma_start3A_285 = arith.constant 1 : i32
    %dma_start3A_286 = arith.constant 0 : i32
    %dma_start3A_287 = arith.constant 0 : i32
    %dma_start3A_288 = tpu.memref_slice %arg6[%dma_start3A_285, %dma_start3A_286, %dma_start3A_287] : memref<2x640x64xf32, #tpu.memory_space<vmem>> -> memref<1x640x64xf32, #tpu.memory_space<vmem>>
    %dma_start3A_289 = tpu.memref_squeeze %dma_start3A_288 : memref<1x640x64xf32, #tpu.memory_space<vmem>> -> memref<640x64xf32, #tpu.memory_space<vmem>>
    %dma_start3A_290 = arith.constant 0 : i32
    %dma_start3A_291 = tpu.memref_slice %arg4[%multiple_of3A_284, %dma_start3A_290] : memref<204800x64xf32, #tpu.memory_space<hbm>> -> memref<640x64xf32, #tpu.memory_space<hbm>>
    %dma_start3A_292 = arith.constant 0 : i32
    %dma_start3A_293 = tpu.memref_slice %arg4[%multiple_of3A_284, %dma_start3A_292] : memref<204800x64xf32, #tpu.memory_space<hbm>> -> memref<640x64xf32, #tpu.memory_space<hbm>>
    %dma_start3A_294 = arith.constant 0 : i32
    %dma_start3A_295 = arith.constant 0 : i32
    %dma_start3A_296 = tpu.memref_slice %arg6[%dma_start3A_285, %dma_start3A_294, %dma_start3A_295] : memref<2x640x64xf32, #tpu.memory_space<vmem>> -> memref<1x640x64xf32, #tpu.memory_space<vmem>>
    %dma_start3A_297 = tpu.memref_squeeze %dma_start3A_296 : memref<1x640x64xf32, #tpu.memory_space<vmem>> -> memref<640x64xf32, #tpu.memory_space<vmem>>
    tpu.enqueue_dma source(%dma_start3A_297 : memref<640x64xf32, #tpu.memory_space<vmem>>) target(%dma_start3A_293 : memref<640x64xf32, #tpu.memory_space<hbm>>) target_semaphore(%arg8 : memref<!tpu.dma_semaphore, #tpu.memory_space<semaphore_mem>>)
    %scan3A = arith.constant 0 : i32
    %scan3A_298 = arith.constant 1 : i32
    %scan3A_299 = arith.constant 4 : i32
    %scan3A_300 = arith.addi %scan3A_298, %scan3A_299 : i32
    %scan3A_301 = arith.constant 1 : i32
    scf.for %scan3A_329 = %scan3A_298 to %scan3A_300 step %scan3A_301  : i32 {
      %mul3A_330 = arith.constant 2 : i32
      %mul3A_331 = arith.muli %mul3A_330, %scan3A_329 : i32
      %add3A_332 = arith.constant 0 : i32
      %add3A_333 = arith.addi %mul3A_331, %add3A_332 : i32
      %dma_wait3A_334 = arith.constant 0 : i32
      %dma_wait3A_335 = arith.constant 0 : i32
      %dma_wait3A_336 = arith.constant 0 : i32
      %dma_wait3A_337 = tpu.memref_slice %arg6[%dma_wait3A_334, %dma_wait3A_335, %dma_wait3A_336] : memref<2x640x64xf32, #tpu.memory_space<vmem>> -> memref<1x640x64xf32, #tpu.memory_space<vmem>>
      %dma_wait3A_338 = tpu.memref_squeeze %dma_wait3A_337 : memref<1x640x64xf32, #tpu.memory_space<vmem>> -> memref<640x64xf32, #tpu.memory_space<vmem>>
      %dma_wait3A_339 = arith.constant 0 : i32
      %dma_wait3A_340 = tpu.memref_slice %arg4[%mul3A_2, %dma_wait3A_339] : memref<204800x64xf32, #tpu.memory_space<hbm>> -> memref<640x64xf32, #tpu.memory_space<hbm>>
      %dma_wait3A_341 = arith.constant 0 : i32
      %dma_wait3A_342 = tpu.memref_slice %arg4[%mul3A_2, %dma_wait3A_341] : memref<204800x64xf32, #tpu.memory_space<hbm>> -> memref<640x64xf32, #tpu.memory_space<hbm>>
      %dma_wait3A_343 = arith.constant 0 : i32
      %dma_wait3A_344 = arith.constant 0 : i32
      %dma_wait3A_345 = tpu.memref_slice %arg6[%dma_wait3A_334, %dma_wait3A_343, %dma_wait3A_344] : memref<2x640x64xf32, #tpu.memory_space<vmem>> -> memref<1x640x64xf32, #tpu.memory_space<vmem>>
      %dma_wait3A_346 = tpu.memref_squeeze %dma_wait3A_345 : memref<1x640x64xf32, #tpu.memory_space<vmem>> -> memref<640x64xf32, #tpu.memory_space<vmem>>
      tpu.wait_dma2 semaphore(%arg8 : memref<!tpu.dma_semaphore, #tpu.memory_space<semaphore_mem>>) src(%dma_wait3A_346 : memref<640x64xf32, #tpu.memory_space<vmem>>) dst(%dma_wait3A_342 : memref<640x64xf32, #tpu.memory_space<hbm>>)
      %mul3A_347 = arith.constant 640 : i32
      %mul3A_348 = arith.muli %add3A_333, %mul3A_347 : i32
      %multiple_of3A_349 = tpu.assume_multiple %mul3A_348, 8 : i32
      %add3A_350 = arith.constant 0 : i32
      %add3A_351 = arith.addi %multiple_of3A_349, %add3A_350 : i32
      %dma_start3A_352 = arith.constant 0 : i32
      %dma_start3A_353 = arith.constant 0 : i32
      %dma_start3A_354 = arith.constant 0 : i32
      %dma_start3A_355 = tpu.memref_slice %arg6[%dma_start3A_352, %dma_start3A_353, %dma_start3A_354] : memref<2x640x64xf32, #tpu.memory_space<vmem>> -> memref<1x640x64xf32, #tpu.memory_space<vmem>>
      %dma_start3A_356 = tpu.memref_squeeze %dma_start3A_355 : memref<1x640x64xf32, #tpu.memory_space<vmem>> -> memref<640x64xf32, #tpu.memory_space<vmem>>
      %dma_start3A_357 = arith.constant 0 : i32
      %dma_start3A_358 = arith.constant 0 : i32
      %dma_start3A_359 = tpu.memref_slice %dma_start3A_356[%dma_start3A_357, %dma_start3A_358] : memref<640x64xf32, #tpu.memory_space<vmem>> -> memref<128x64xf32, #tpu.memory_space<vmem>>
      %dma_start3A_360 = tpu.memref_slice %arg5[%add3A_351] : memref<6400xi32, #tpu.memory_space<vmem>> -> memref<128xi32, #tpu.memory_space<vmem>>
      %dma_start3A_361 = arith.constant 0 : i32
      %dma_start3A_362 = arith.constant 0 : i32
      %dma_start3A_363 = tpu.memref_slice %arg3[%dma_start3A_361, %dma_start3A_362] : memref<10000x64xf32, #tpu.memory_space<hbm>> -> memref<10000x64xf32, #tpu.memory_space<hbm>>
      tpu.enqueue_indirect_dma source(%dma_start3A_363 : memref<10000x64xf32, #tpu.memory_space<hbm>>) target(%dma_start3A_359 : memref<128x64xf32, #tpu.memory_space<vmem>>) offsets(%dma_start3A_360 : memref<128xi32, #tpu.memory_space<vmem>>) semaphore(%arg7 : memref<!tpu.dma_semaphore, #tpu.memory_space<semaphore_mem>>)
      %add3A_364 = arith.constant 128 : i32
      %add3A_365 = arith.addi %multiple_of3A_349, %add3A_364 : i32
      %dma_start3A_366 = arith.constant 0 : i32
      %dma_start3A_367 = arith.constant 0 : i32
      %dma_start3A_368 = arith.constant 0 : i32
      %dma_start3A_369 = tpu.memref_slice %arg6[%dma_start3A_366, %dma_start3A_367, %dma_start3A_368] : memref<2x640x64xf32, #tpu.memory_space<vmem>> -> memref<1x640x64xf32, #tpu.memory_space<vmem>>
      %dma_start3A_370 = tpu.memref_squeeze %dma_start3A_369 : memref<1x640x64xf32, #tpu.memory_space<vmem>> -> memref<640x64xf32, #tpu.memory_space<vmem>>
      %dma_start3A_371 = arith.constant 128 : i32
      %dma_start3A_372 = arith.constant 0 : i32
      %dma_start3A_373 = tpu.memref_slice %dma_start3A_370[%dma_start3A_371, %dma_start3A_372] : memref<640x64xf32, #tpu.memory_space<vmem>> -> memref<128x64xf32, #tpu.memory_space<vmem>>
      %dma_start3A_374 = tpu.memref_slice %arg5[%add3A_365] : memref<6400xi32, #tpu.memory_space<vmem>> -> memref<128xi32, #tpu.memory_space<vmem>>
      %dma_start3A_375 = arith.constant 0 : i32
      %dma_start3A_376 = arith.constant 0 : i32
      %dma_start3A_377 = tpu.memref_slice %arg3[%dma_start3A_375, %dma_start3A_376] : memref<10000x64xf32, #tpu.memory_space<hbm>> -> memref<10000x64xf32, #tpu.memory_space<hbm>>
      tpu.enqueue_indirect_dma source(%dma_start3A_377 : memref<10000x64xf32, #tpu.memory_space<hbm>>) target(%dma_start3A_373 : memref<128x64xf32, #tpu.memory_space<vmem>>) offsets(%dma_start3A_374 : memref<128xi32, #tpu.memory_space<vmem>>) semaphore(%arg7 : memref<!tpu.dma_semaphore, #tpu.memory_space<semaphore_mem>>)
      %add3A_378 = arith.constant 256 : i32
      %add3A_379 = arith.addi %multiple_of3A_349, %add3A_378 : i32
      %dma_start3A_380 = arith.constant 0 : i32
      %dma_start3A_381 = arith.constant 0 : i32
      %dma_start3A_382 = arith.constant 0 : i32
      %dma_start3A_383 = tpu.memref_slice %arg6[%dma_start3A_380, %dma_start3A_381, %dma_start3A_382] : memref<2x640x64xf32, #tpu.memory_space<vmem>> -> memref<1x640x64xf32, #tpu.memory_space<vmem>>
      %dma_start3A_384 = tpu.memref_squeeze %dma_start3A_383 : memref<1x640x64xf32, #tpu.memory_space<vmem>> -> memref<640x64xf32, #tpu.memory_space<vmem>>
      %dma_start3A_385 = arith.constant 256 : i32
      %dma_start3A_386 = arith.constant 0 : i32
      %dma_start3A_387 = tpu.memref_slice %dma_start3A_384[%dma_start3A_385, %dma_start3A_386] : memref<640x64xf32, #tpu.memory_space<vmem>> -> memref<128x64xf32, #tpu.memory_space<vmem>>
      %dma_start3A_388 = tpu.memref_slice %arg5[%add3A_379] : memref<6400xi32, #tpu.memory_space<vmem>> -> memref<128xi32, #tpu.memory_space<vmem>>
      %dma_start3A_389 = arith.constant 0 : i32
      %dma_start3A_390 = arith.constant 0 : i32
      %dma_start3A_391 = tpu.memref_slice %arg3[%dma_start3A_389, %dma_start3A_390] : memref<10000x64xf32, #tpu.memory_space<hbm>> -> memref<10000x64xf32, #tpu.memory_space<hbm>>
      tpu.enqueue_indirect_dma source(%dma_start3A_391 : memref<10000x64xf32, #tpu.memory_space<hbm>>) target(%dma_start3A_387 : memref<128x64xf32, #tpu.memory_space<vmem>>) offsets(%dma_start3A_388 : memref<128xi32, #tpu.memory_space<vmem>>) semaphore(%arg7 : memref<!tpu.dma_semaphore, #tpu.memory_space<semaphore_mem>>)
      %add3A_392 = arith.constant 384 : i32
      %add3A_393 = arith.addi %multiple_of3A_349, %add3A_392 : i32
      %dma_start3A_394 = arith.constant 0 : i32
      %dma_start3A_395 = arith.constant 0 : i32
      %dma_start3A_396 = arith.constant 0 : i32
      %dma_start3A_397 = tpu.memref_slice %arg6[%dma_start3A_394, %dma_start3A_395, %dma_start3A_396] : memref<2x640x64xf32, #tpu.memory_space<vmem>> -> memref<1x640x64xf32, #tpu.memory_space<vmem>>
      %dma_start3A_398 = tpu.memref_squeeze %dma_start3A_397 : memref<1x640x64xf32, #tpu.memory_space<vmem>> -> memref<640x64xf32, #tpu.memory_space<vmem>>
      %dma_start3A_399 = arith.constant 384 : i32
      %dma_start3A_400 = arith.constant 0 : i32
      %dma_start3A_401 = tpu.memref_slice %dma_start3A_398[%dma_start3A_399, %dma_start3A_400] : memref<640x64xf32, #tpu.memory_space<vmem>> -> memref<128x64xf32, #tpu.memory_space<vmem>>
      %dma_start3A_402 = tpu.memref_slice %arg5[%add3A_393] : memref<6400xi32, #tpu.memory_space<vmem>> -> memref<128xi32, #tpu.memory_space<vmem>>
      %dma_start3A_403 = arith.constant 0 : i32
      %dma_start3A_404 = arith.constant 0 : i32
      %dma_start3A_405 = tpu.memref_slice %arg3[%dma_start3A_403, %dma_start3A_404] : memref<10000x64xf32, #tpu.memory_space<hbm>> -> memref<10000x64xf32, #tpu.memory_space<hbm>>
      tpu.enqueue_indirect_dma source(%dma_start3A_405 : memref<10000x64xf32, #tpu.memory_space<hbm>>) target(%dma_start3A_401 : memref<128x64xf32, #tpu.memory_space<vmem>>) offsets(%dma_start3A_402 : memref<128xi32, #tpu.memory_space<vmem>>) semaphore(%arg7 : memref<!tpu.dma_semaphore, #tpu.memory_space<semaphore_mem>>)
      %add3A_406 = arith.constant 512 : i32
      %add3A_407 = arith.addi %multiple_of3A_349, %add3A_406 : i32
      %dma_start3A_408 = arith.constant 0 : i32
      %dma_start3A_409 = arith.constant 0 : i32
      %dma_start3A_410 = arith.constant 0 : i32
      %dma_start3A_411 = tpu.memref_slice %arg6[%dma_start3A_408, %dma_start3A_409, %dma_start3A_410] : memref<2x640x64xf32, #tpu.memory_space<vmem>> -> memref<1x640x64xf32, #tpu.memory_space<vmem>>
      %dma_start3A_412 = tpu.memref_squeeze %dma_start3A_411 : memref<1x640x64xf32, #tpu.memory_space<vmem>> -> memref<640x64xf32, #tpu.memory_space<vmem>>
      %dma_start3A_413 = arith.constant 512 : i32
      %dma_start3A_414 = arith.constant 0 : i32
      %dma_start3A_415 = tpu.memref_slice %dma_start3A_412[%dma_start3A_413, %dma_start3A_414] : memref<640x64xf32, #tpu.memory_space<vmem>> -> memref<128x64xf32, #tpu.memory_space<vmem>>
      %dma_start3A_416 = tpu.memref_slice %arg5[%add3A_407] : memref<6400xi32, #tpu.memory_space<vmem>> -> memref<128xi32, #tpu.memory_space<vmem>>
      %dma_start3A_417 = arith.constant 0 : i32
      %dma_start3A_418 = arith.constant 0 : i32
      %dma_start3A_419 = tpu.memref_slice %arg3[%dma_start3A_417, %dma_start3A_418] : memref<10000x64xf32, #tpu.memory_space<hbm>> -> memref<10000x64xf32, #tpu.memory_space<hbm>>
      tpu.enqueue_indirect_dma source(%dma_start3A_419 : memref<10000x64xf32, #tpu.memory_space<hbm>>) target(%dma_start3A_415 : memref<128x64xf32, #tpu.memory_space<vmem>>) offsets(%dma_start3A_416 : memref<128xi32, #tpu.memory_space<vmem>>) semaphore(%arg7 : memref<!tpu.dma_semaphore, #tpu.memory_space<semaphore_mem>>)
      %dma_wait3A_420 = arith.constant 0 : i32
      %dma_wait3A_421 = arith.constant 0 : i32
      %dma_wait3A_422 = arith.constant 0 : i32
      %dma_wait3A_423 = tpu.memref_slice %arg6[%dma_wait3A_420, %dma_wait3A_421, %dma_wait3A_422] : memref<2x640x64xf32, #tpu.memory_space<vmem>> -> memref<1x640x64xf32, #tpu.memory_space<vmem>>
      %dma_wait3A_424 = tpu.memref_squeeze %dma_wait3A_423 : memref<1x640x64xf32, #tpu.memory_space<vmem>> -> memref<640x64xf32, #tpu.memory_space<vmem>>
      %dma_wait3A_425 = arith.constant 0 : i32
      %dma_wait3A_426 = arith.constant 0 : i32
      %dma_wait3A_427 = tpu.memref_slice %dma_wait3A_424[%dma_wait3A_425, %dma_wait3A_426] : memref<640x64xf32, #tpu.memory_space<vmem>> -> memref<128x64xf32, #tpu.memory_space<vmem>>
      %dma_wait3A_428 = tpu.memref_slice %arg5[%add3A_351] : memref<6400xi32, #tpu.memory_space<vmem>> -> memref<128xi32, #tpu.memory_space<vmem>>
      %dma_wait3A_429 = arith.constant 0 : i32
      %dma_wait3A_430 = arith.constant 0 : i32
      %dma_wait3A_431 = tpu.memref_slice %arg3[%dma_wait3A_429, %dma_wait3A_430] : memref<10000x64xf32, #tpu.memory_space<hbm>> -> memref<10000x64xf32, #tpu.memory_space<hbm>>
      tpu.wait_indirect_dma semaphore(%arg7 : memref<!tpu.dma_semaphore, #tpu.memory_space<semaphore_mem>>) src(%dma_wait3A_431 : memref<10000x64xf32, #tpu.memory_space<hbm>>) dst(%dma_wait3A_427 : memref<128x64xf32, #tpu.memory_space<vmem>>)
      %dma_wait3A_432 = arith.constant 0 : i32
      %dma_wait3A_433 = arith.constant 0 : i32
      %dma_wait3A_434 = arith.constant 0 : i32
      %dma_wait3A_435 = tpu.memref_slice %arg6[%dma_wait3A_432, %dma_wait3A_433, %dma_wait3A_434] : memref<2x640x64xf32, #tpu.memory_space<vmem>> -> memref<1x640x64xf32, #tpu.memory_space<vmem>>
      %dma_wait3A_436 = tpu.memref_squeeze %dma_wait3A_435 : memref<1x640x64xf32, #tpu.memory_space<vmem>> -> memref<640x64xf32, #tpu.memory_space<vmem>>
      %dma_wait3A_437 = arith.constant 128 : i32
      %dma_wait3A_438 = arith.constant 0 : i32
      %dma_wait3A_439 = tpu.memref_slice %dma_wait3A_436[%dma_wait3A_437, %dma_wait3A_438] : memref<640x64xf32, #tpu.memory_space<vmem>> -> memref<128x64xf32, #tpu.memory_space<vmem>>
      %dma_wait3A_440 = tpu.memref_slice %arg5[%add3A_365] : memref<6400xi32, #tpu.memory_space<vmem>> -> memref<128xi32, #tpu.memory_space<vmem>>
      %dma_wait3A_441 = arith.constant 0 : i32
      %dma_wait3A_442 = arith.constant 0 : i32
      %dma_wait3A_443 = tpu.memref_slice %arg3[%dma_wait3A_441, %dma_wait3A_442] : memref<10000x64xf32, #tpu.memory_space<hbm>> -> memref<10000x64xf32, #tpu.memory_space<hbm>>
      tpu.wait_indirect_dma semaphore(%arg7 : memref<!tpu.dma_semaphore, #tpu.memory_space<semaphore_mem>>) src(%dma_wait3A_443 : memref<10000x64xf32, #tpu.memory_space<hbm>>) dst(%dma_wait3A_439 : memref<128x64xf32, #tpu.memory_space<vmem>>)
      %dma_wait3A_444 = arith.constant 0 : i32
      %dma_wait3A_445 = arith.constant 0 : i32
      %dma_wait3A_446 = arith.constant 0 : i32
      %dma_wait3A_447 = tpu.memref_slice %arg6[%dma_wait3A_444, %dma_wait3A_445, %dma_wait3A_446] : memref<2x640x64xf32, #tpu.memory_space<vmem>> -> memref<1x640x64xf32, #tpu.memory_space<vmem>>
      %dma_wait3A_448 = tpu.memref_squeeze %dma_wait3A_447 : memref<1x640x64xf32, #tpu.memory_space<vmem>> -> memref<640x64xf32, #tpu.memory_space<vmem>>
      %dma_wait3A_449 = arith.constant 256 : i32
      %dma_wait3A_450 = arith.constant 0 : i32
      %dma_wait3A_451 = tpu.memref_slice %dma_wait3A_448[%dma_wait3A_449, %dma_wait3A_450] : memref<640x64xf32, #tpu.memory_space<vmem>> -> memref<128x64xf32, #tpu.memory_space<vmem>>
      %dma_wait3A_452 = tpu.memref_slice %arg5[%add3A_379] : memref<6400xi32, #tpu.memory_space<vmem>> -> memref<128xi32, #tpu.memory_space<vmem>>
      %dma_wait3A_453 = arith.constant 0 : i32
      %dma_wait3A_454 = arith.constant 0 : i32
      %dma_wait3A_455 = tpu.memref_slice %arg3[%dma_wait3A_453, %dma_wait3A_454] : memref<10000x64xf32, #tpu.memory_space<hbm>> -> memref<10000x64xf32, #tpu.memory_space<hbm>>
      tpu.wait_indirect_dma semaphore(%arg7 : memref<!tpu.dma_semaphore, #tpu.memory_space<semaphore_mem>>) src(%dma_wait3A_455 : memref<10000x64xf32, #tpu.memory_space<hbm>>) dst(%dma_wait3A_451 : memref<128x64xf32, #tpu.memory_space<vmem>>)
      %dma_wait3A_456 = arith.constant 0 : i32
      %dma_wait3A_457 = arith.constant 0 : i32
      %dma_wait3A_458 = arith.constant 0 : i32
      %dma_wait3A_459 = tpu.memref_slice %arg6[%dma_wait3A_456, %dma_wait3A_457, %dma_wait3A_458] : memref<2x640x64xf32, #tpu.memory_space<vmem>> -> memref<1x640x64xf32, #tpu.memory_space<vmem>>
      %dma_wait3A_460 = tpu.memref_squeeze %dma_wait3A_459 : memref<1x640x64xf32, #tpu.memory_space<vmem>> -> memref<640x64xf32, #tpu.memory_space<vmem>>
      %dma_wait3A_461 = arith.constant 384 : i32
      %dma_wait3A_462 = arith.constant 0 : i32
      %dma_wait3A_463 = tpu.memref_slice %dma_wait3A_460[%dma_wait3A_461, %dma_wait3A_462] : memref<640x64xf32, #tpu.memory_space<vmem>> -> memref<128x64xf32, #tpu.memory_space<vmem>>
      %dma_wait3A_464 = tpu.memref_slice %arg5[%add3A_393] : memref<6400xi32, #tpu.memory_space<vmem>> -> memref<128xi32, #tpu.memory_space<vmem>>
      %dma_wait3A_465 = arith.constant 0 : i32
      %dma_wait3A_466 = arith.constant 0 : i32
      %dma_wait3A_467 = tpu.memref_slice %arg3[%dma_wait3A_465, %dma_wait3A_466] : memref<10000x64xf32, #tpu.memory_space<hbm>> -> memref<10000x64xf32, #tpu.memory_space<hbm>>
      tpu.wait_indirect_dma semaphore(%arg7 : memref<!tpu.dma_semaphore, #tpu.memory_space<semaphore_mem>>) src(%dma_wait3A_467 : memref<10000x64xf32, #tpu.memory_space<hbm>>) dst(%dma_wait3A_463 : memref<128x64xf32, #tpu.memory_space<vmem>>)
      %dma_wait3A_468 = arith.constant 0 : i32
      %dma_wait3A_469 = arith.constant 0 : i32
      %dma_wait3A_470 = arith.constant 0 : i32
      %dma_wait3A_471 = tpu.memref_slice %arg6[%dma_wait3A_468, %dma_wait3A_469, %dma_wait3A_470] : memref<2x640x64xf32, #tpu.memory_space<vmem>> -> memref<1x640x64xf32, #tpu.memory_space<vmem>>
      %dma_wait3A_472 = tpu.memref_squeeze %dma_wait3A_471 : memref<1x640x64xf32, #tpu.memory_space<vmem>> -> memref<640x64xf32, #tpu.memory_space<vmem>>
      %dma_wait3A_473 = arith.constant 512 : i32
      %dma_wait3A_474 = arith.constant 0 : i32
      %dma_wait3A_475 = tpu.memref_slice %dma_wait3A_472[%dma_wait3A_473, %dma_wait3A_474] : memref<640x64xf32, #tpu.memory_space<vmem>> -> memref<128x64xf32, #tpu.memory_space<vmem>>
      %dma_wait3A_476 = tpu.memref_slice %arg5[%add3A_407] : memref<6400xi32, #tpu.memory_space<vmem>> -> memref<128xi32, #tpu.memory_space<vmem>>
      %dma_wait3A_477 = arith.constant 0 : i32
      %dma_wait3A_478 = arith.constant 0 : i32
      %dma_wait3A_479 = tpu.memref_slice %arg3[%dma_wait3A_477, %dma_wait3A_478] : memref<10000x64xf32, #tpu.memory_space<hbm>> -> memref<10000x64xf32, #tpu.memory_space<hbm>>
      tpu.wait_indirect_dma semaphore(%arg7 : memref<!tpu.dma_semaphore, #tpu.memory_space<semaphore_mem>>) src(%dma_wait3A_479 : memref<10000x64xf32, #tpu.memory_space<hbm>>) dst(%dma_wait3A_475 : memref<128x64xf32, #tpu.memory_space<vmem>>)
      %mul3A_480 = arith.constant 640 : i32
      %mul3A_481 = arith.muli %add3A_333, %mul3A_480 : i32
      %add3A_482 = arith.addi %mul3A_2, %mul3A_481 : i32
      %multiple_of3A_483 = tpu.assume_multiple %add3A_482, 8 : i32
      %dma_start3A_484 = arith.constant 0 : i32
      %dma_start3A_485 = arith.constant 0 : i32
      %dma_start3A_486 = arith.constant 0 : i32
      %dma_start3A_487 = tpu.memref_slice %arg6[%dma_start3A_484, %dma_start3A_485, %dma_start3A_486] : memref<2x640x64xf32, #tpu.memory_space<vmem>> -> memref<1x640x64xf32, #tpu.memory_space<vmem>>
      %dma_start3A_488 = tpu.memref_squeeze %dma_start3A_487 : memref<1x640x64xf32, #tpu.memory_space<vmem>> -> memref<640x64xf32, #tpu.memory_space<vmem>>
      %dma_start3A_489 = arith.constant 0 : i32
      %dma_start3A_490 = tpu.memref_slice %arg4[%multiple_of3A_483, %dma_start3A_489] : memref<204800x64xf32, #tpu.memory_space<hbm>> -> memref<640x64xf32, #tpu.memory_space<hbm>>
      %dma_start3A_491 = arith.constant 0 : i32
      %dma_start3A_492 = tpu.memref_slice %arg4[%multiple_of3A_483, %dma_start3A_491] : memref<204800x64xf32, #tpu.memory_space<hbm>> -> memref<640x64xf32, #tpu.memory_space<hbm>>
      %dma_start3A_493 = arith.constant 0 : i32
      %dma_start3A_494 = arith.constant 0 : i32
      %dma_start3A_495 = tpu.memref_slice %arg6[%dma_start3A_484, %dma_start3A_493, %dma_start3A_494] : memref<2x640x64xf32, #tpu.memory_space<vmem>> -> memref<1x640x64xf32, #tpu.memory_space<vmem>>
      %dma_start3A_496 = tpu.memref_squeeze %dma_start3A_495 : memref<1x640x64xf32, #tpu.memory_space<vmem>> -> memref<640x64xf32, #tpu.memory_space<vmem>>
      tpu.enqueue_dma source(%dma_start3A_496 : memref<640x64xf32, #tpu.memory_space<vmem>>) target(%dma_start3A_492 : memref<640x64xf32, #tpu.memory_space<hbm>>) target_semaphore(%arg8 : memref<!tpu.dma_semaphore, #tpu.memory_space<semaphore_mem>>)
      %mul3A_497 = arith.constant 2 : i32
      %mul3A_498 = arith.muli %mul3A_497, %scan3A_329 : i32
      %add3A_499 = arith.constant 1 : i32
      %add3A_500 = arith.addi %mul3A_498, %add3A_499 : i32
      %dma_wait3A_501 = arith.constant 0 : i32
      %dma_wait3A_502 = arith.constant 0 : i32
      %dma_wait3A_503 = arith.constant 0 : i32
      %dma_wait3A_504 = tpu.memref_slice %arg6[%dma_wait3A_501, %dma_wait3A_502, %dma_wait3A_503] : memref<2x640x64xf32, #tpu.memory_space<vmem>> -> memref<1x640x64xf32, #tpu.memory_space<vmem>>
      %dma_wait3A_505 = tpu.memref_squeeze %dma_wait3A_504 : memref<1x640x64xf32, #tpu.memory_space<vmem>> -> memref<640x64xf32, #tpu.memory_space<vmem>>
      %dma_wait3A_506 = arith.constant 0 : i32
      %dma_wait3A_507 = tpu.memref_slice %arg4[%mul3A_2, %dma_wait3A_506] : memref<204800x64xf32, #tpu.memory_space<hbm>> -> memref<640x64xf32, #tpu.memory_space<hbm>>
      %dma_wait3A_508 = arith.constant 0 : i32
      %dma_wait3A_509 = tpu.memref_slice %arg4[%mul3A_2, %dma_wait3A_508] : memref<204800x64xf32, #tpu.memory_space<hbm>> -> memref<640x64xf32, #tpu.memory_space<hbm>>
      %dma_wait3A_510 = arith.constant 0 : i32
      %dma_wait3A_511 = arith.constant 0 : i32
      %dma_wait3A_512 = tpu.memref_slice %arg6[%dma_wait3A_501, %dma_wait3A_510, %dma_wait3A_511] : memref<2x640x64xf32, #tpu.memory_space<vmem>> -> memref<1x640x64xf32, #tpu.memory_space<vmem>>
      %dma_wait3A_513 = tpu.memref_squeeze %dma_wait3A_512 : memref<1x640x64xf32, #tpu.memory_space<vmem>> -> memref<640x64xf32, #tpu.memory_space<vmem>>
      tpu.wait_dma2 semaphore(%arg8 : memref<!tpu.dma_semaphore, #tpu.memory_space<semaphore_mem>>) src(%dma_wait3A_513 : memref<640x64xf32, #tpu.memory_space<vmem>>) dst(%dma_wait3A_509 : memref<640x64xf32, #tpu.memory_space<hbm>>)
      %mul3A_514 = arith.constant 640 : i32
      %mul3A_515 = arith.muli %add3A_500, %mul3A_514 : i32
      %multiple_of3A_516 = tpu.assume_multiple %mul3A_515, 8 : i32
      %add3A_517 = arith.constant 0 : i32
      %add3A_518 = arith.addi %multiple_of3A_516, %add3A_517 : i32
      %dma_start3A_519 = arith.constant 1 : i32
      %dma_start3A_520 = arith.constant 0 : i32
      %dma_start3A_521 = arith.constant 0 : i32
      %dma_start3A_522 = tpu.memref_slice %arg6[%dma_start3A_519, %dma_start3A_520, %dma_start3A_521] : memref<2x640x64xf32, #tpu.memory_space<vmem>> -> memref<1x640x64xf32, #tpu.memory_space<vmem>>
      %dma_start3A_523 = tpu.memref_squeeze %dma_start3A_522 : memref<1x640x64xf32, #tpu.memory_space<vmem>> -> memref<640x64xf32, #tpu.memory_space<vmem>>
      %dma_start3A_524 = arith.constant 0 : i32
      %dma_start3A_525 = arith.constant 0 : i32
      %dma_start3A_526 = tpu.memref_slice %dma_start3A_523[%dma_start3A_524, %dma_start3A_525] : memref<640x64xf32, #tpu.memory_space<vmem>> -> memref<128x64xf32, #tpu.memory_space<vmem>>
      %dma_start3A_527 = tpu.memref_slice %arg5[%add3A_518] : memref<6400xi32, #tpu.memory_space<vmem>> -> memref<128xi32, #tpu.memory_space<vmem>>
      %dma_start3A_528 = arith.constant 0 : i32
      %dma_start3A_529 = arith.constant 0 : i32
      %dma_start3A_530 = tpu.memref_slice %arg3[%dma_start3A_528, %dma_start3A_529] : memref<10000x64xf32, #tpu.memory_space<hbm>> -> memref<10000x64xf32, #tpu.memory_space<hbm>>
      tpu.enqueue_indirect_dma source(%dma_start3A_530 : memref<10000x64xf32, #tpu.memory_space<hbm>>) target(%dma_start3A_526 : memref<128x64xf32, #tpu.memory_space<vmem>>) offsets(%dma_start3A_527 : memref<128xi32, #tpu.memory_space<vmem>>) semaphore(%arg7 : memref<!tpu.dma_semaphore, #tpu.memory_space<semaphore_mem>>)
      %add3A_531 = arith.constant 128 : i32
      %add3A_532 = arith.addi %multiple_of3A_516, %add3A_531 : i32
      %dma_start3A_533 = arith.constant 1 : i32
      %dma_start3A_534 = arith.constant 0 : i32
      %dma_start3A_535 = arith.constant 0 : i32
      %dma_start3A_536 = tpu.memref_slice %arg6[%dma_start3A_533, %dma_start3A_534, %dma_start3A_535] : memref<2x640x64xf32, #tpu.memory_space<vmem>> -> memref<1x640x64xf32, #tpu.memory_space<vmem>>
      %dma_start3A_537 = tpu.memref_squeeze %dma_start3A_536 : memref<1x640x64xf32, #tpu.memory_space<vmem>> -> memref<640x64xf32, #tpu.memory_space<vmem>>
      %dma_start3A_538 = arith.constant 128 : i32
      %dma_start3A_539 = arith.constant 0 : i32
      %dma_start3A_540 = tpu.memref_slice %dma_start3A_537[%dma_start3A_538, %dma_start3A_539] : memref<640x64xf32, #tpu.memory_space<vmem>> -> memref<128x64xf32, #tpu.memory_space<vmem>>
      %dma_start3A_541 = tpu.memref_slice %arg5[%add3A_532] : memref<6400xi32, #tpu.memory_space<vmem>> -> memref<128xi32, #tpu.memory_space<vmem>>
      %dma_start3A_542 = arith.constant 0 : i32
      %dma_start3A_543 = arith.constant 0 : i32
      %dma_start3A_544 = tpu.memref_slice %arg3[%dma_start3A_542, %dma_start3A_543] : memref<10000x64xf32, #tpu.memory_space<hbm>> -> memref<10000x64xf32, #tpu.memory_space<hbm>>
      tpu.enqueue_indirect_dma source(%dma_start3A_544 : memref<10000x64xf32, #tpu.memory_space<hbm>>) target(%dma_start3A_540 : memref<128x64xf32, #tpu.memory_space<vmem>>) offsets(%dma_start3A_541 : memref<128xi32, #tpu.memory_space<vmem>>) semaphore(%arg7 : memref<!tpu.dma_semaphore, #tpu.memory_space<semaphore_mem>>)
      %add3A_545 = arith.constant 256 : i32
      %add3A_546 = arith.addi %multiple_of3A_516, %add3A_545 : i32
      %dma_start3A_547 = arith.constant 1 : i32
      %dma_start3A_548 = arith.constant 0 : i32
      %dma_start3A_549 = arith.constant 0 : i32
      %dma_start3A_550 = tpu.memref_slice %arg6[%dma_start3A_547, %dma_start3A_548, %dma_start3A_549] : memref<2x640x64xf32, #tpu.memory_space<vmem>> -> memref<1x640x64xf32, #tpu.memory_space<vmem>>
      %dma_start3A_551 = tpu.memref_squeeze %dma_start3A_550 : memref<1x640x64xf32, #tpu.memory_space<vmem>> -> memref<640x64xf32, #tpu.memory_space<vmem>>
      %dma_start3A_552 = arith.constant 256 : i32
      %dma_start3A_553 = arith.constant 0 : i32
      %dma_start3A_554 = tpu.memref_slice %dma_start3A_551[%dma_start3A_552, %dma_start3A_553] : memref<640x64xf32, #tpu.memory_space<vmem>> -> memref<128x64xf32, #tpu.memory_space<vmem>>
      %dma_start3A_555 = tpu.memref_slice %arg5[%add3A_546] : memref<6400xi32, #tpu.memory_space<vmem>> -> memref<128xi32, #tpu.memory_space<vmem>>
      %dma_start3A_556 = arith.constant 0 : i32
      %dma_start3A_557 = arith.constant 0 : i32
      %dma_start3A_558 = tpu.memref_slice %arg3[%dma_start3A_556, %dma_start3A_557] : memref<10000x64xf32, #tpu.memory_space<hbm>> -> memref<10000x64xf32, #tpu.memory_space<hbm>>
      tpu.enqueue_indirect_dma source(%dma_start3A_558 : memref<10000x64xf32, #tpu.memory_space<hbm>>) target(%dma_start3A_554 : memref<128x64xf32, #tpu.memory_space<vmem>>) offsets(%dma_start3A_555 : memref<128xi32, #tpu.memory_space<vmem>>) semaphore(%arg7 : memref<!tpu.dma_semaphore, #tpu.memory_space<semaphore_mem>>)
      %add3A_559 = arith.constant 384 : i32
      %add3A_560 = arith.addi %multiple_of3A_516, %add3A_559 : i32
      %dma_start3A_561 = arith.constant 1 : i32
      %dma_start3A_562 = arith.constant 0 : i32
      %dma_start3A_563 = arith.constant 0 : i32
      %dma_start3A_564 = tpu.memref_slice %arg6[%dma_start3A_561, %dma_start3A_562, %dma_start3A_563] : memref<2x640x64xf32, #tpu.memory_space<vmem>> -> memref<1x640x64xf32, #tpu.memory_space<vmem>>
      %dma_start3A_565 = tpu.memref_squeeze %dma_start3A_564 : memref<1x640x64xf32, #tpu.memory_space<vmem>> -> memref<640x64xf32, #tpu.memory_space<vmem>>
      %dma_start3A_566 = arith.constant 384 : i32
      %dma_start3A_567 = arith.constant 0 : i32
      %dma_start3A_568 = tpu.memref_slice %dma_start3A_565[%dma_start3A_566, %dma_start3A_567] : memref<640x64xf32, #tpu.memory_space<vmem>> -> memref<128x64xf32, #tpu.memory_space<vmem>>
      %dma_start3A_569 = tpu.memref_slice %arg5[%add3A_560] : memref<6400xi32, #tpu.memory_space<vmem>> -> memref<128xi32, #tpu.memory_space<vmem>>
      %dma_start3A_570 = arith.constant 0 : i32
      %dma_start3A_571 = arith.constant 0 : i32
      %dma_start3A_572 = tpu.memref_slice %arg3[%dma_start3A_570, %dma_start3A_571] : memref<10000x64xf32, #tpu.memory_space<hbm>> -> memref<10000x64xf32, #tpu.memory_space<hbm>>
      tpu.enqueue_indirect_dma source(%dma_start3A_572 : memref<10000x64xf32, #tpu.memory_space<hbm>>) target(%dma_start3A_568 : memref<128x64xf32, #tpu.memory_space<vmem>>) offsets(%dma_start3A_569 : memref<128xi32, #tpu.memory_space<vmem>>) semaphore(%arg7 : memref<!tpu.dma_semaphore, #tpu.memory_space<semaphore_mem>>)
      %add3A_573 = arith.constant 512 : i32
      %add3A_574 = arith.addi %multiple_of3A_516, %add3A_573 : i32
      %dma_start3A_575 = arith.constant 1 : i32
      %dma_start3A_576 = arith.constant 0 : i32
      %dma_start3A_577 = arith.constant 0 : i32
      %dma_start3A_578 = tpu.memref_slice %arg6[%dma_start3A_575, %dma_start3A_576, %dma_start3A_577] : memref<2x640x64xf32, #tpu.memory_space<vmem>> -> memref<1x640x64xf32, #tpu.memory_space<vmem>>
      %dma_start3A_579 = tpu.memref_squeeze %dma_start3A_578 : memref<1x640x64xf32, #tpu.memory_space<vmem>> -> memref<640x64xf32, #tpu.memory_space<vmem>>
      %dma_start3A_580 = arith.constant 512 : i32
      %dma_start3A_581 = arith.constant 0 : i32
      %dma_start3A_582 = tpu.memref_slice %dma_start3A_579[%dma_start3A_580, %dma_start3A_581] : memref<640x64xf32, #tpu.memory_space<vmem>> -> memref<128x64xf32, #tpu.memory_space<vmem>>
      %dma_start3A_583 = tpu.memref_slice %arg5[%add3A_574] : memref<6400xi32, #tpu.memory_space<vmem>> -> memref<128xi32, #tpu.memory_space<vmem>>
      %dma_start3A_584 = arith.constant 0 : i32
      %dma_start3A_585 = arith.constant 0 : i32
      %dma_start3A_586 = tpu.memref_slice %arg3[%dma_start3A_584, %dma_start3A_585] : memref<10000x64xf32, #tpu.memory_space<hbm>> -> memref<10000x64xf32, #tpu.memory_space<hbm>>
      tpu.enqueue_indirect_dma source(%dma_start3A_586 : memref<10000x64xf32, #tpu.memory_space<hbm>>) target(%dma_start3A_582 : memref<128x64xf32, #tpu.memory_space<vmem>>) offsets(%dma_start3A_583 : memref<128xi32, #tpu.memory_space<vmem>>) semaphore(%arg7 : memref<!tpu.dma_semaphore, #tpu.memory_space<semaphore_mem>>)
      %dma_wait3A_587 = arith.constant 1 : i32
      %dma_wait3A_588 = arith.constant 0 : i32
      %dma_wait3A_589 = arith.constant 0 : i32
      %dma_wait3A_590 = tpu.memref_slice %arg6[%dma_wait3A_587, %dma_wait3A_588, %dma_wait3A_589] : memref<2x640x64xf32, #tpu.memory_space<vmem>> -> memref<1x640x64xf32, #tpu.memory_space<vmem>>
      %dma_wait3A_591 = tpu.memref_squeeze %dma_wait3A_590 : memref<1x640x64xf32, #tpu.memory_space<vmem>> -> memref<640x64xf32, #tpu.memory_space<vmem>>
      %dma_wait3A_592 = arith.constant 0 : i32
      %dma_wait3A_593 = arith.constant 0 : i32
      %dma_wait3A_594 = tpu.memref_slice %dma_wait3A_591[%dma_wait3A_592, %dma_wait3A_593] : memref<640x64xf32, #tpu.memory_space<vmem>> -> memref<128x64xf32, #tpu.memory_space<vmem>>
      %dma_wait3A_595 = tpu.memref_slice %arg5[%add3A_518] : memref<6400xi32, #tpu.memory_space<vmem>> -> memref<128xi32, #tpu.memory_space<vmem>>
      %dma_wait3A_596 = arith.constant 0 : i32
      %dma_wait3A_597 = arith.constant 0 : i32
      %dma_wait3A_598 = tpu.memref_slice %arg3[%dma_wait3A_596, %dma_wait3A_597] : memref<10000x64xf32, #tpu.memory_space<hbm>> -> memref<10000x64xf32, #tpu.memory_space<hbm>>
      tpu.wait_indirect_dma semaphore(%arg7 : memref<!tpu.dma_semaphore, #tpu.memory_space<semaphore_mem>>) src(%dma_wait3A_598 : memref<10000x64xf32, #tpu.memory_space<hbm>>) dst(%dma_wait3A_594 : memref<128x64xf32, #tpu.memory_space<vmem>>)
      %dma_wait3A_599 = arith.constant 1 : i32
      %dma_wait3A_600 = arith.constant 0 : i32
      %dma_wait3A_601 = arith.constant 0 : i32
      %dma_wait3A_602 = tpu.memref_slice %arg6[%dma_wait3A_599, %dma_wait3A_600, %dma_wait3A_601] : memref<2x640x64xf32, #tpu.memory_space<vmem>> -> memref<1x640x64xf32, #tpu.memory_space<vmem>>
      %dma_wait3A_603 = tpu.memref_squeeze %dma_wait3A_602 : memref<1x640x64xf32, #tpu.memory_space<vmem>> -> memref<640x64xf32, #tpu.memory_space<vmem>>
      %dma_wait3A_604 = arith.constant 128 : i32
      %dma_wait3A_605 = arith.constant 0 : i32
      %dma_wait3A_606 = tpu.memref_slice %dma_wait3A_603[%dma_wait3A_604, %dma_wait3A_605] : memref<640x64xf32, #tpu.memory_space<vmem>> -> memref<128x64xf32, #tpu.memory_space<vmem>>
      %dma_wait3A_607 = tpu.memref_slice %arg5[%add3A_532] : memref<6400xi32, #tpu.memory_space<vmem>> -> memref<128xi32, #tpu.memory_space<vmem>>
      %dma_wait3A_608 = arith.constant 0 : i32
      %dma_wait3A_609 = arith.constant 0 : i32
      %dma_wait3A_610 = tpu.memref_slice %arg3[%dma_wait3A_608, %dma_wait3A_609] : memref<10000x64xf32, #tpu.memory_space<hbm>> -> memref<10000x64xf32, #tpu.memory_space<hbm>>
      tpu.wait_indirect_dma semaphore(%arg7 : memref<!tpu.dma_semaphore, #tpu.memory_space<semaphore_mem>>) src(%dma_wait3A_610 : memref<10000x64xf32, #tpu.memory_space<hbm>>) dst(%dma_wait3A_606 : memref<128x64xf32, #tpu.memory_space<vmem>>)
      %dma_wait3A_611 = arith.constant 1 : i32
      %dma_wait3A_612 = arith.constant 0 : i32
      %dma_wait3A_613 = arith.constant 0 : i32
      %dma_wait3A_614 = tpu.memref_slice %arg6[%dma_wait3A_611, %dma_wait3A_612, %dma_wait3A_613] : memref<2x640x64xf32, #tpu.memory_space<vmem>> -> memref<1x640x64xf32, #tpu.memory_space<vmem>>
      %dma_wait3A_615 = tpu.memref_squeeze %dma_wait3A_614 : memref<1x640x64xf32, #tpu.memory_space<vmem>> -> memref<640x64xf32, #tpu.memory_space<vmem>>
      %dma_wait3A_616 = arith.constant 256 : i32
      %dma_wait3A_617 = arith.constant 0 : i32
      %dma_wait3A_618 = tpu.memref_slice %dma_wait3A_615[%dma_wait3A_616, %dma_wait3A_617] : memref<640x64xf32, #tpu.memory_space<vmem>> -> memref<128x64xf32, #tpu.memory_space<vmem>>
      %dma_wait3A_619 = tpu.memref_slice %arg5[%add3A_546] : memref<6400xi32, #tpu.memory_space<vmem>> -> memref<128xi32, #tpu.memory_space<vmem>>
      %dma_wait3A_620 = arith.constant 0 : i32
      %dma_wait3A_621 = arith.constant 0 : i32
      %dma_wait3A_622 = tpu.memref_slice %arg3[%dma_wait3A_620, %dma_wait3A_621] : memref<10000x64xf32, #tpu.memory_space<hbm>> -> memref<10000x64xf32, #tpu.memory_space<hbm>>
      tpu.wait_indirect_dma semaphore(%arg7 : memref<!tpu.dma_semaphore, #tpu.memory_space<semaphore_mem>>) src(%dma_wait3A_622 : memref<10000x64xf32, #tpu.memory_space<hbm>>) dst(%dma_wait3A_618 : memref<128x64xf32, #tpu.memory_space<vmem>>)
      %dma_wait3A_623 = arith.constant 1 : i32
      %dma_wait3A_624 = arith.constant 0 : i32
      %dma_wait3A_625 = arith.constant 0 : i32
      %dma_wait3A_626 = tpu.memref_slice %arg6[%dma_wait3A_623, %dma_wait3A_624, %dma_wait3A_625] : memref<2x640x64xf32, #tpu.memory_space<vmem>> -> memref<1x640x64xf32, #tpu.memory_space<vmem>>
      %dma_wait3A_627 = tpu.memref_squeeze %dma_wait3A_626 : memref<1x640x64xf32, #tpu.memory_space<vmem>> -> memref<640x64xf32, #tpu.memory_space<vmem>>
      %dma_wait3A_628 = arith.constant 384 : i32
      %dma_wait3A_629 = arith.constant 0 : i32
      %dma_wait3A_630 = tpu.memref_slice %dma_wait3A_627[%dma_wait3A_628, %dma_wait3A_629] : memref<640x64xf32, #tpu.memory_space<vmem>> -> memref<128x64xf32, #tpu.memory_space<vmem>>
      %dma_wait3A_631 = tpu.memref_slice %arg5[%add3A_560] : memref<6400xi32, #tpu.memory_space<vmem>> -> memref<128xi32, #tpu.memory_space<vmem>>
      %dma_wait3A_632 = arith.constant 0 : i32
      %dma_wait3A_633 = arith.constant 0 : i32
      %dma_wait3A_634 = tpu.memref_slice %arg3[%dma_wait3A_632, %dma_wait3A_633] : memref<10000x64xf32, #tpu.memory_space<hbm>> -> memref<10000x64xf32, #tpu.memory_space<hbm>>
      tpu.wait_indirect_dma semaphore(%arg7 : memref<!tpu.dma_semaphore, #tpu.memory_space<semaphore_mem>>) src(%dma_wait3A_634 : memref<10000x64xf32, #tpu.memory_space<hbm>>) dst(%dma_wait3A_630 : memref<128x64xf32, #tpu.memory_space<vmem>>)
      %dma_wait3A_635 = arith.constant 1 : i32
      %dma_wait3A_636 = arith.constant 0 : i32
      %dma_wait3A_637 = arith.constant 0 : i32
      %dma_wait3A_638 = tpu.memref_slice %arg6[%dma_wait3A_635, %dma_wait3A_636, %dma_wait3A_637] : memref<2x640x64xf32, #tpu.memory_space<vmem>> -> memref<1x640x64xf32, #tpu.memory_space<vmem>>
      %dma_wait3A_639 = tpu.memref_squeeze %dma_wait3A_638 : memref<1x640x64xf32, #tpu.memory_space<vmem>> -> memref<640x64xf32, #tpu.memory_space<vmem>>
      %dma_wait3A_640 = arith.constant 512 : i32
      %dma_wait3A_641 = arith.constant 0 : i32
      %dma_wait3A_642 = tpu.memref_slice %dma_wait3A_639[%dma_wait3A_640, %dma_wait3A_641] : memref<640x64xf32, #tpu.memory_space<vmem>> -> memref<128x64xf32, #tpu.memory_space<vmem>>
      %dma_wait3A_643 = tpu.memref_slice %arg5[%add3A_574] : memref<6400xi32, #tpu.memory_space<vmem>> -> memref<128xi32, #tpu.memory_space<vmem>>
      %dma_wait3A_644 = arith.constant 0 : i32
      %dma_wait3A_645 = arith.constant 0 : i32
      %dma_wait3A_646 = tpu.memref_slice %arg3[%dma_wait3A_644, %dma_wait3A_645] : memref<10000x64xf32, #tpu.memory_space<hbm>> -> memref<10000x64xf32, #tpu.memory_space<hbm>>
      tpu.wait_indirect_dma semaphore(%arg7 : memref<!tpu.dma_semaphore, #tpu.memory_space<semaphore_mem>>) src(%dma_wait3A_646 : memref<10000x64xf32, #tpu.memory_space<hbm>>) dst(%dma_wait3A_642 : memref<128x64xf32, #tpu.memory_space<vmem>>)
      %mul3A_647 = arith.constant 640 : i32
      %mul3A_648 = arith.muli %add3A_500, %mul3A_647 : i32
      %add3A_649 = arith.addi %mul3A_2, %mul3A_648 : i32
      %multiple_of3A_650 = tpu.assume_multiple %add3A_649, 8 : i32
      %dma_start3A_651 = arith.constant 1 : i32
      %dma_start3A_652 = arith.constant 0 : i32
      %dma_start3A_653 = arith.constant 0 : i32
      %dma_start3A_654 = tpu.memref_slice %arg6[%dma_start3A_651, %dma_start3A_652, %dma_start3A_653] : memref<2x640x64xf32, #tpu.memory_space<vmem>> -> memref<1x640x64xf32, #tpu.memory_space<vmem>>
      %dma_start3A_655 = tpu.memref_squeeze %dma_start3A_654 : memref<1x640x64xf32, #tpu.memory_space<vmem>> -> memref<640x64xf32, #tpu.memory_space<vmem>>
      %dma_start3A_656 = arith.constant 0 : i32
      %dma_start3A_657 = tpu.memref_slice %arg4[%multiple_of3A_650, %dma_start3A_656] : memref<204800x64xf32, #tpu.memory_space<hbm>> -> memref<640x64xf32, #tpu.memory_space<hbm>>
      %dma_start3A_658 = arith.constant 0 : i32
      %dma_start3A_659 = tpu.memref_slice %arg4[%multiple_of3A_650, %dma_start3A_658] : memref<204800x64xf32, #tpu.memory_space<hbm>> -> memref<640x64xf32, #tpu.memory_space<hbm>>
      %dma_start3A_660 = arith.constant 0 : i32
      %dma_start3A_661 = arith.constant 0 : i32
      %dma_start3A_662 = tpu.memref_slice %arg6[%dma_start3A_651, %dma_start3A_660, %dma_start3A_661] : memref<2x640x64xf32, #tpu.memory_space<vmem>> -> memref<1x640x64xf32, #tpu.memory_space<vmem>>
      %dma_start3A_663 = tpu.memref_squeeze %dma_start3A_662 : memref<1x640x64xf32, #tpu.memory_space<vmem>> -> memref<640x64xf32, #tpu.memory_space<vmem>>
      tpu.enqueue_dma source(%dma_start3A_663 : memref<640x64xf32, #tpu.memory_space<vmem>>) target(%dma_start3A_659 : memref<640x64xf32, #tpu.memory_space<hbm>>) target_semaphore(%arg8 : memref<!tpu.dma_semaphore, #tpu.memory_space<semaphore_mem>>)
    }
    %scan3A_302 = arith.constant 4 : i32
    %dma_wait3A_303 = arith.constant 0 : i32
    %dma_wait3A_304 = arith.constant 0 : i32
    %dma_wait3A_305 = arith.constant 0 : i32
    %dma_wait3A_306 = tpu.memref_slice %arg6[%dma_wait3A_303, %dma_wait3A_304, %dma_wait3A_305] : memref<2x640x64xf32, #tpu.memory_space<vmem>> -> memref<1x640x64xf32, #tpu.memory_space<vmem>>
    %dma_wait3A_307 = tpu.memref_squeeze %dma_wait3A_306 : memref<1x640x64xf32, #tpu.memory_space<vmem>> -> memref<640x64xf32, #tpu.memory_space<vmem>>
    %dma_wait3A_308 = arith.constant 0 : i32
    %dma_wait3A_309 = tpu.memref_slice %arg4[%mul3A_2, %dma_wait3A_308] : memref<204800x64xf32, #tpu.memory_space<hbm>> -> memref<640x64xf32, #tpu.memory_space<hbm>>
    %dma_wait3A_310 = arith.constant 0 : i32
    %dma_wait3A_311 = tpu.memref_slice %arg4[%mul3A_2, %dma_wait3A_310] : memref<204800x64xf32, #tpu.memory_space<hbm>> -> memref<640x64xf32, #tpu.memory_space<hbm>>
    %dma_wait3A_312 = arith.constant 0 : i32
    %dma_wait3A_313 = arith.constant 0 : i32
    %dma_wait3A_314 = tpu.memref_slice %arg6[%dma_wait3A_303, %dma_wait3A_312, %dma_wait3A_313] : memref<2x640x64xf32, #tpu.memory_space<vmem>> -> memref<1x640x64xf32, #tpu.memory_space<vmem>>
    %dma_wait3A_315 = tpu.memref_squeeze %dma_wait3A_314 : memref<1x640x64xf32, #tpu.memory_space<vmem>> -> memref<640x64xf32, #tpu.memory_space<vmem>>
    tpu.wait_dma2 semaphore(%arg8 : memref<!tpu.dma_semaphore, #tpu.memory_space<semaphore_mem>>) src(%dma_wait3A_315 : memref<640x64xf32, #tpu.memory_space<vmem>>) dst(%dma_wait3A_311 : memref<640x64xf32, #tpu.memory_space<hbm>>)
    %dma_wait3A_316 = arith.constant 0 : i32
    %dma_wait3A_317 = arith.constant 0 : i32
    %dma_wait3A_318 = arith.constant 0 : i32
    %dma_wait3A_319 = tpu.memref_slice %arg6[%dma_wait3A_316, %dma_wait3A_317, %dma_wait3A_318] : memref<2x640x64xf32, #tpu.memory_space<vmem>> -> memref<1x640x64xf32, #tpu.memory_space<vmem>>
    %dma_wait3A_320 = tpu.memref_squeeze %dma_wait3A_319 : memref<1x640x64xf32, #tpu.memory_space<vmem>> -> memref<640x64xf32, #tpu.memory_space<vmem>>
    %dma_wait3A_321 = arith.constant 0 : i32
    %dma_wait3A_322 = tpu.memref_slice %arg4[%mul3A_2, %dma_wait3A_321] : memref<204800x64xf32, #tpu.memory_space<hbm>> -> memref<640x64xf32, #tpu.memory_space<hbm>>
    %dma_wait3A_323 = arith.constant 0 : i32
    %dma_wait3A_324 = tpu.memref_slice %arg4[%mul3A_2, %dma_wait3A_323] : memref<204800x64xf32, #tpu.memory_space<hbm>> -> memref<640x64xf32, #tpu.memory_space<hbm>>
    %dma_wait3A_325 = arith.constant 0 : i32
    %dma_wait3A_326 = arith.constant 0 : i32
    %dma_wait3A_327 = tpu.memref_slice %arg6[%dma_wait3A_316, %dma_wait3A_325, %dma_wait3A_326] : memref<2x640x64xf32, #tpu.memory_space<vmem>> -> memref<1x640x64xf32, #tpu.memory_space<vmem>>
    %dma_wait3A_328 = tpu.memref_squeeze %dma_wait3A_327 : memref<1x640x64xf32, #tpu.memory_space<vmem>> -> memref<640x64xf32, #tpu.memory_space<vmem>>
    tpu.wait_dma2 semaphore(%arg8 : memref<!tpu.dma_semaphore, #tpu.memory_space<semaphore_mem>>) src(%dma_wait3A_328 : memref<640x64xf32, #tpu.memory_space<vmem>>) dst(%dma_wait3A_324 : memref<640x64xf32, #tpu.memory_space<hbm>>)
    return
  }
}

</mosaic_0001>

<sc_bundles>
// kernel: _sc_gather.3.cloned.1.call-start
scs
__scs_entry_jumppad:
0x0: {  	(pc) =	sbr.rel $0x88, $3  }
0x1: {  	(tag) =	ssettag $0x0;
	lr =	simm.s32 $0x1  }
0x2: {  	[smem:$0x3F9F] =	sst lr;
	_ =	strace $0xD0000000  }
0x3: {  	_ = 	snop  }
0x4: {  	_ = 	snop  }
0x5: {  	_ = 	snop  }
0x6: {  	_ = 	snop  }
0x7: {  	_ = 	snop  }
__scs_overlays_trampoline_lowered:
0x8: {  	[smem:$0x3FAE] =	sst s0  }
0x9: {  	[smem:$0x3FAF] =	sst s1  }
0xa: {  	[smem:$0x3FB0] =	sst s2  }
0xb: {  	[smem:$0x3FB1] =	sst s3  }
0xc: {  	[smem:$0x3FB2] =	sst s4  }
0xd: {  	[smem:$0x3FB3] =	sst s5  }
0xe: {  	[smem:$0x3FB4] =	sst s6  }
0xf: {  	[smem:$0x3FB5] =	sst s7  }
0x10: {  	[smem:$0x3FB6] =	sst s8  }
0x11: {  	[smem:$0x3FB7] =	sst s9;
	s0 =	simm.s32 @!p0 $0x0  }
0x12: {  	s1 =	sld [smem:$0x3F9D];
	s0 =	simm.s32 @p0 $0x1  }
0x13: {  	[smem:$0x3FB8] =	sst s0;
	s0 =	simm.s32 @!p1 $0x0  }
0x14: {  	s2 =	sld [smem:$0x3F9C];
	s0 =	simm.s32 @p1 $0x1  }
0x15: {  	[smem:$0x3FB9] =	sst s0;
	s0 =	simm.s32 @!p2 $0x0  }
0x16: {  	s3 =	sld [smem:$0x3FDB];
	s0 =	simm.s32 @p2 $0x1  }
0x17: {  	s4 =	simm.s32 $0x1BF5;
	[smem:$0x3FBB] =	sst s0  }
0x18: {  	s0 =	sld [smem:$0x3F9E];
	_ =	swait.ge [sflag:s4], $0x0  }
0x19: {  	s7 =	sld [smem:$0x3F9F]  }
0x1a: {  	s8 =	sadd.s32 $0xFFFFE003, lr  }
0x1b: {  	s9 =	sadd.s32 $0xFFFFFEF7, lr;
	s5 =	simm.s32 $0xFFFFFFFF;
	p2 =	slt.u32 s8, $0xFFFFF086  }
0x1c: {  	p1 =	slt.u32 s9, $0xF7A;
	s5 =	simm.s32 @!p2 $0x0  }
0x1d: {  	s5 =	simm.s32 @p1 $0x1;
	p0 =	seq.s32 s7, s2  }
0x1e: {  	s7 =	smul.u32 @!p0 $0xF7A, s2;
	p2 =	seq.s32 @!p0 s5, $0x0  }
0x1f: {  	s9 =	smul.u32 $0xF7A, s1;
	s8 =	simm.s32 @!p0 $0x1BF5;
	p2 =	por !p2, p0  }
0x20: {  	[sflag:s8] =	ssyncset.s32 @!p0 $0xFFFFF086;
	s6 =	sadd.s32 @!p0 s3, s7;
	s7 =	simm.s32 @!p0 $0x108  }
0x21: {  	s3 =	sadd.s32 s3, s9;
	s6 =	sadd.s32 @!p0 $0x88, s6;
	s7 =	simm.s32 @p2 $0x1082  }
0x22: {  	[simem:s7], [sflag:s8] =	dma.local @!p0 [hbm:s6], $0xF7A  }
0x23: {  	s9 =	sor.u32 $0xD0000000, s2;
	s6 =	simm.s32 $0x108;
	_ =	swait.ge @!p0 [sflag:s8], $0x0  }
0x24: {  	s3 =	sadd.s32 $0x88, s3;
	s6 =	simm.s32 @!p1 $0x1082;
	[sflag:s4] =	ssyncset.s32 $0xFFFFF086  }
0x25: {  	[simem:s6], [sflag:s4] =	dma.local [hbm:s3], $0xF7A  }
0x26: {  	[smem:$0x3F9F] =	sst s1;
	(tag) =	ssettag s2;
	_ =	strace s9  }
0x27: {  	s1 =	sld [smem:$0x3FAF]  }
0x28: {  	s2 =	sld [smem:$0x3FB0]  }
0x29: {  	s4 =	sld [smem:$0x3FB2]  }
0x2a: {  	p0 =	seq.s32 s5, $0x0;
	s5 =	sld [smem:$0x3FB3]  }
0x2b: {  	s6 =	sld [smem:$0x3FB4]  }
0x2c: {  	s7 =	sld [smem:$0x3FB5]  }
0x2d: {  	s3 =	simm.s32 $0x108;
	s8 =	sld [smem:$0x3FB6]  }
0x2e: {  	s3 =	simm.s32 @!p0 $0x1082;
	s9 =	sld [smem:$0x3FB7]  }
0x2f: {  	lr =	sadd.s32 s0, s3;
	s0 =	sld [smem:$0x3FAE]  }
0x30: {  	s3 =	sld [smem:$0x3FB1]  }
0x31: {  	[smem:$0x3FBA] =	sst s10  }
0x32: {  	s10 =	sld [smem:$0x3FB8];
	_ =	sdelay $0x3  }
0x33: {  	p0 =	seq.s32 s10, $0x1;
	s10 =	sld [smem:$0x3FBA];
	_ =	sdelay $0x3  }
0x34: {  	[smem:$0x3FBA] =	sst s10  }
0x35: {  	s10 =	sld [smem:$0x3FB9];
	_ =	sdelay $0x3  }
0x36: {  	p1 =	seq.s32 s10, $0x1;
	s10 =	sld [smem:$0x3FBA];
	_ =	sdelay $0x3  }
0x37: {  	[smem:$0x3FBA] =	sst s10  }
0x38: {  	s10 =	sld [smem:$0x3FBB]  }
0x39: {  	_ = 	snop;
	(pc) =	sbr.ind lr, $3  }
0x3a: {  	_ = 	snop  }
0x3b: {  	_ = 	snop  }
0x3c: {  	p2 =	seq.s32 s10, $0x1;
	s10 =	sld [smem:$0x3FBA]  }
0x3d: {  	_ =	shalt  }
0x3e: {  	_ =	shalt  }
0x3f: {  	_ =	shalt  }
0x40: {  	_ =	shalt  }
0x41: {  	_ =	shalt  }
0x42: {  	_ =	shalt  }
0x43: {  	_ =	shalt  }
0x44: {  	_ =	shalt  }
0x45: {  	_ =	shalt  }
0x46: {  	_ =	shalt  }
0x47: {  	_ =	shalt  }
0x48: {  	_ =	shalt  }
0x49: {  	_ =	shalt  }
0x4a: {  	_ =	shalt  }
0x4b: {  	_ =	shalt  }
0x4c: {  	_ =	shalt  }
0x4d: {  	_ =	shalt  }
0x4e: {  	_ =	shalt  }
0x4f: {  	_ =	shalt  }
0x50: {  	_ =	shalt  }
0x51: {  	_ =	shalt  }
0x52: {  	_ =	shalt  }
0x53: {  	_ =	shalt  }
0x54: {  	_ =	shalt  }
0x55: {  	_ =	shalt  }
0x56: {  	_ =	shalt  }
0x57: {  	_ =	shalt  }
0x58: {  	_ =	shalt  }
0x59: {  	_ =	shalt  }
0x5a: {  	_ =	shalt  }
0x5b: {  	_ =	shalt  }
0x5c: {  	_ =	shalt  }
0x5d: {  	_ =	shalt  }
0x5e: {  	_ =	shalt  }
0x5f: {  	_ =	shalt  }
0x60: {  	_ =	shalt  }
0x61: {  	_ =	shalt  }
0x62: {  	_ =	shalt  }
0x63: {  	_ =	shalt  }
0x64: {  	_ =	shalt  }
0x65: {  	_ =	shalt  }
0x66: {  	_ =	shalt  }
0x67: {  	_ =	shalt  }
0x68: {  	_ =	shalt  }
0x69: {  	_ =	shalt  }
0x6a: {  	_ =	shalt  }
0x6b: {  	_ =	shalt  }
0x6c: {  	_ =	shalt  }
0x6d: {  	_ =	shalt  }
0x6e: {  	_ =	shalt  }
0x6f: {  	_ =	shalt  }
0x70: {  	_ =	shalt  }
0x71: {  	_ =	shalt  }
0x72: {  	_ =	shalt  }
0x73: {  	_ =	shalt  }
0x74: {  	_ =	shalt  }
0x75: {  	_ =	shalt  }
0x76: {  	_ =	shalt  }
0x77: {  	_ =	shalt  }
0x78: {  	_ =	shalt  }
0x79: {  	_ =	shalt  }
0x7a: {  	_ =	shalt  }
0x7b: {  	_ =	shalt  }
0x7c: {  	_ =	shalt  }
0x7d: {  	_ =	shalt  }
0x7e: {  	_ =	shalt  }
0x7f: {  	_ =	shalt  }
0x80: {  	_ =	shalt  }
0x81: {  	_ =	shalt  }
0x82: {  	_ =	shalt  }
0x83: {  	_ =	shalt  }
0x84: {  	_ =	shalt  }
0x85: {  	_ =	shalt  }
0x86: {  	_ =	shalt  }
0x87: {  	_ =	shalt  }
.Lfunc_end0:
.L_simem_size_0:
called_computation.1_lowered:
.L_overlay_start_0:
0x88: {  	s2 =	sld [smem:$0x3FD9]  }
0x89: {  	s3 =	sld [smem:$0x3FFE];
	_ =	sdelay $0x1  }
0x8a: {  	s1 =	srdreg.scid  }
0x8b: {  	s0 =	sand.u32 $0x1, s1  }
0x8c: {  	s17 =	sshll.u32 s0, $0xA;
	s2 =	sadd.s32 s3, s2  }
0x8d: {  	s2 =	sadd.s32 s2, s17  }
0x8e: {  	[smem:$0x3FC6] =	sst s2  }
0x8f: {  	_ = 	snop  }
0x90: {  	s2 =	sld [smem:$0x3FC9]  }
0x91: {  	s18 =	sld [smem:$0x3FD0];
	(tm) =	ssettm $0x1  }
0x92: {  	s4 =	sld [smem:$0x3FFB];
	_ =	sdelay $0x3  }
0x93: {  	_ =	strace s4  }
0x94: {  	s4 =	sld [smem:$0x3FFC];
	_ =	sdelay $0x3  }
0x95: {  	_ =	strace s4  }
0x96: {  	s4 =	sld [smem:$0x3FFD];
	_ =	sdelay $0x3  }
0x97: {  	_ =	strace s4  }
0x98: {  	_ =	strace $0x8FFFFFFF  }
0x99: {  	s19 =	sld [smem:$0x3FDB];
	_ =	sdelay $0x1  }
0x9a: {  	s5 =	simm.s32 $_scs_section_size  }
0x9b: {  	s6 =	simm.s32 $_size__tile_overlayer_lowered;
	s7 =	simm.s32 $_tile_overlayer_lowered  }
0x9c: {  	s22 =	simm.s32 $0x1BFF;
	s21 =	sshll.u32 s7, $0x1;
	s4 =	sadd.s32 s5, s19  }
0x9d: {  	s8 =	simm.s32 $0x0;
	s20 =	sshll.u32 s6, $0x1;
	s6 =	sadd.s32 s21, s4  }
0x9e: {  	[timem:s8], [sflag:s22] =	dma.local [hbm:s6], s20  }
0x9f: {  	_ =	swait.ge [sflag:s22], s20  }
0xa0: {  	s5 =	ssub.s32 $0x0, s20;
	[sflag:s22] =	ssyncset.done $0x0  }
0xa1: {  	[sflag:s22] =	ssyncadd.s32 s5;
	_ =	sdelay $0x1  }
0xa2: {  	s23 =	simm.s32 $0x1B8B  }
0xa3: {  	_ =	swait.ge [sflag:s23], $0x1  }
0xa4: {  	[sflag:s23] =	ssyncset.done $0x0  }
0xa5: {  	s25 =	simm.s32 $0x1B8E;
	s24 =	sld [smem:$0x3FFE];
	[sflag:s23] =	ssyncadd.s32 $0xFFFFFFFF  }
0xa6: {  	s26 =	simm.s32 $execute0_lowered;
	[smem:$0x3FD2] =	sst s25  }
0xa7: {  	s6 =	sshll.u32 s26, $0x1;
	_ =	strace $0x80000046;
	[dreg:$0x1] =	wrdreg $0xFFFFFFFF  }
0xa8: {  	s28 =	simm.s32 $_size_execute0_lowered;
	s4 =	sadd.s32 s4, s6;
	[dreg:$0x0] =	wrdreg $0x0  }
0xa9: {  	s6 =	sshll.u32 s28, $0x1;
	[dreg:$0x2] =	wrdreg s4  }
0xaa: {  	[dreg:$0x3] =	wrdreg s6  }
0xab: {  	[dreg:$0x4] =	wrdreg $0xC0  }
0xac: {  	_ =	task [dreg:s8], $0x5FFFF  }
0xad: {  	[dreg:$0x1] =	wrdreg $0xFFFFFFFF  }
0xae: {  	[dreg:$0x0] =	wrdreg $0x60  }
0xaf: {  	[dreg:$0x2] =	wrdreg s2  }
0xb0: {  	[dreg:$0x3] =	wrdreg s24  }
0xb1: {  	[dreg:$0x4] =	wrdreg s18  }
0xb2: {  	[dreg:$0x5] =	wrdreg $0x9  }
0xb3: {  	_ =	task.clear_ibuf [dreg:s8], $0x6FFFF;
	_ =	strace $0x90000046  }
0xb4: {  	s29 =	simm.s32 $0x9;
	_ =	strace $0x80000048  }
0xb5: {  	_ =	swait.ge [sflag:s29], $0x1  }
0xb6: {  	[sflag:s29] =	ssyncadd.s32 $0xFFFFFFFF  }
0xb7: {  	_ =	strace $0x90000048  }
0xb8: {  	_ =	sfence  }
0xb9: {  	s30 =	sld [smem:$0x0];
	_ =	sdelay $0x2  }
0xba: {  	s31 =	sshll.u32 s1, $0xD;
	s1 =	sshrl.u32 s1, $0x2  }
0xbb: {  	s3 =	sand.u32 $0x4000, s31;
	s1 =	sadd.s32 s1, s30  }
0xbc: {  	s0 =	sor.u32 s3, s0;
	s1 =	sshll.u32 s1, $0x11  }
0xbd: {  	s0 =	sor.u32 s1, s0  }
0xbe: {  	s0 =	sadd.s32 $0x8F2B, s0  }
0xbf: {  	[sflag:s0] =	ssyncadd.remote.s32 $0x1  }
0xc0: {  	_ =	sfence.sel $0xFFFF  }
0xc1: {  	[dreg:$0x0] =	wrdreg $0xFFFFFFFF;
	(pc) =	sbr.abs _section_cstart, $3  }
0xc2: {  	[dreg:$0x1] =	wrdreg $0xFFFFFFFF  }
0xc3: {  	_ =	task.clear_ibuf [dreg:s8], $0x2FFFF;
	_ =	strace $0x9FFFFFFF  }
0xc4: {  	(tm) =	ssettm $0x7FFFFFFF  }
0xc5: {  	_ =	shalt  }
tec
execute0_lowered:
.L_overlay_start_1:
0x0: {  	(tag) =	ssettag $0x1  }
0x1: {  	s0 =	rddreg [dreg:$0x0];
	s1 =	srdreg.scid  }
0x2: {  	s8 =	stileid.u32;
	s3 =	rddreg [dreg:$0x1]  }
0x3: {  	s6 =	rddreg [dreg:$0x2];
	s11 =	simm.s32 $0x80;
	s12 =	simm.s32 $0x1900  }
0x4: {  	s13 =	simm.s32 $0x3900;
	s15 =	simm.s32 $0x5900;
	s17 =	simm.s32 $0x7900  }
0x5: {  	s19 =	simm.s32 $0x9900;
	s20 =	simm.s32 $0x1;
	s22 =	simm.s32 $0xB900  }
0x6: {  	s24 =	simm.s32 $0xD900;
	s28 =	simm.s32 $0x400;
	s29 =	simm.s32 $0x11900  }
0x7: {  	s1 =	sand.u32 $0x1, s1;
	s2 =	sshll.u32 s8, $0x1;
	s8 =	smul.u32 $0x3200, s8  }
0x8: {  	s4 =	sor.u32 s1, s2;
	s7 =	ssub.s32 $0x2, s1;
	s1 =	smul.u32 $0x1900, s1  }
0x9: {  	s30 =	simm.s32 $0x480;
	s31 =	simm.s32 $0x13900;
	s5 =	smul.u32 $0x1900, s4  }
0xa: {  	s3 =	sadd.s32 $0x800, s3;
	s2 =	simm.s32 $0x0;
	s25 =	smul.u32 $0x64000, s4  }
0xb: {  	[smem:$0x7FF] =	sst s2;
	s9 =	sshrl.u32 s7, $0x1;
	s10 =	smul.u32 $0xC800, s4  }
0xc: {  	_ =	strace $0x80000047;
	s7 =	ssub.s32 s7, s9;
	s1 =	sadd.s32 s1, s8  }
0xd: {  	s5 =	sshrl.u32 s5, $0x3;
	s26 =	sshrl.u32 s25, $0x3;
	s1 =	sshll.u32 s1, $0x3  }
0xe: {  	s7 =	smax.u32 s7, $0x1;
	s4 =	sadd.s32 s0, s5;
	s5 =	sadd.s32 s6, s10  }
0xf: {  	s0 =	sadd.s32 s6, s26;
	s1 =	sadd.s32 s6, s1;
	s10 =	simm.s32 $0x3  }
0x10: {  	s26 =	simm.s32 $0xF900;
	s6 =	sadd.s32 $0x1400, s0;
	s21 =	sadd.s32 $0x3C00, s1  }
0x11: {  	s9 =	sadd.s32 $0x2800, s1;
	s1 =	simm.s32 $0x2;
	s0 =	simm.s32 $0x0  }
.LBB2_1:
0x12: {  	[tilespmem:s2], [sflag:$0x3] =	stream.linear.gather [hbm4b:s4+s2], $0x1900, $0x38;
	[tilespmem:$0x15900] =	vst v63  }
0x13: {  	_ =	swait.ge [sflag:s10], $0x1900  }
0x14: {  	[sflag:s10] =	ssyncset.done $0x0  }
0x15: {  	[sflag:s10] =	ssyncadd.s32 $0xFFFFE700  }
0x16: {  	[tilespmem:s12], [sflag:$0x1] =	stream.indirect.gather [hbm4b:s3+s11], $0x40, s2, s11, $0xb8;
	[tilespmem:$0x15900] =	vst v63  }
0x17: {  	_ = 	snop  }
0x18: {  	[tilespmem:s13], [sflag:$0x1] =	stream.indirect.gather [hbm4b:s3+s11], $0x40, s11, s11, $0xb8;
	[tilespmem:$0x15900] =	vst v63  }
0x19: {  	s8 =	simm.s32 $0x100  }
0x1a: {  	[tilespmem:s15], [sflag:$0x1] =	stream.indirect.gather [hbm4b:s3+s11], $0x40, s8, s11, $0xb8;
	[tilespmem:$0x15900] =	vst v63  }
0x1b: {  	s14 =	simm.s32 $0x180  }
0x1c: {  	[tilespmem:s17], [sflag:$0x1] =	stream.indirect.gather [hbm4b:s3+s11], $0x40, s14, s11, $0xb8;
	[tilespmem:$0x15900] =	vst v63  }
0x1d: {  	s16 =	simm.s32 $0x200  }
0x1e: {  	[tilespmem:s19], [sflag:$0x1] =	stream.indirect.gather [hbm4b:s3+s11], $0x40, s16, s11, $0xb8;
	[tilespmem:$0x15900] =	vst v63  }
0x1f: {  	_ =	swait.ge [sflag:s20], $0x2000  }
0x20: {  	[sflag:s20] =	ssyncset.done $0x0  }
0x21: {  	[sflag:s20] =	ssyncadd.s32 $0xFFFFE000  }
0x22: {  	_ =	swait.ge [sflag:s20], $0x2000  }
0x23: {  	[sflag:s20] =	ssyncset.done $0x0  }
0x24: {  	[sflag:s20] =	ssyncadd.s32 $0xFFFFE000  }
0x25: {  	_ =	swait.ge [sflag:s20], $0x2000  }
0x26: {  	[sflag:s20] =	ssyncset.done $0x0  }
0x27: {  	[sflag:s20] =	ssyncadd.s32 $0xFFFFE000  }
0x28: {  	_ =	swait.ge [sflag:s20], $0x2000  }
0x29: {  	[sflag:s20] =	ssyncset.done $0x0  }
0x2a: {  	[sflag:s20] =	ssyncadd.s32 $0xFFFFE000  }
0x2b: {  	_ =	swait.ge [sflag:s20], $0x2000  }
0x2c: {  	[sflag:s20] =	ssyncset.done $0x0  }
0x2d: {  	[sflag:s20] =	ssyncadd.s32 $0xFFFFE000  }
0x2e: {  	[hbm4b:s5+s2] =	stream.linear.scatter [tilespmem:s12], [sflag:$0x2], $0xA000, $0x38;
	[tilespmem:$0x15900] =	vst v63  }
0x2f: {  	s18 =	simm.s32 $0x280  }
0x30: {  	[tilespmem:s22], [sflag:$0x1] =	stream.indirect.gather [hbm4b:s3+s11], $0x40, s18, s11, $0xb8;
	[tilespmem:$0x15900] =	vst v63  }
0x31: {  	s23 =	simm.s32 $0x300  }
0x32: {  	[tilespmem:s24], [sflag:$0x1] =	stream.indirect.gather [hbm4b:s3+s11], $0x40, s23, s11, $0xb8;
	[tilespmem:$0x15900] =	vst v63  }
0x33: {  	s25 =	simm.s32 $0x380  }
0x34: {  	[tilespmem:s26], [sflag:$0x1] =	stream.indirect.gather [hbm4b:s3+s11], $0x40, s25, s11, $0xb8;
	[tilespmem:$0x15900] =	vst v63  }
0x35: {  	_ = 	snop  }
0x36: {  	[tilespmem:s29], [sflag:$0x1] =	stream.indirect.gather [hbm4b:s3+s11], $0x40, s28, s11, $0xb8;
	[tilespmem:$0x15900] =	vst v63  }
0x37: {  	_ = 	snop  }
0x38: {  	[tilespmem:s31], [sflag:$0x1] =	stream.indirect.gather [hbm4b:s3+s11], $0x40, s30, s11, $0xb8;
	[tilespmem:$0x15900] =	vst v63  }
0x39: {  	_ =	swait.ge [sflag:s20], $0x2000  }
0x3a: {  	[sflag:s20] =	ssyncset.done $0x0  }
0x3b: {  	[sflag:s20] =	ssyncadd.s32 $0xFFFFE000  }
0x3c: {  	_ =	swait.ge [sflag:s20], $0x2000  }
0x3d: {  	[sflag:s20] =	ssyncset.done $0x0  }
0x3e: {  	[sflag:s20] =	ssyncadd.s32 $0xFFFFE000  }
0x3f: {  	_ =	swait.ge [sflag:s20], $0x2000  }
0x40: {  	[sflag:s20] =	ssyncset.done $0x0  }
0x41: {  	[sflag:s20] =	ssyncadd.s32 $0xFFFFE000  }
0x42: {  	_ =	swait.ge [sflag:s20], $0x2000  }
0x43: {  	[sflag:s20] =	ssyncset.done $0x0  }
0x44: {  	[sflag:s20] =	ssyncadd.s32 $0xFFFFE000  }
0x45: {  	_ =	swait.ge [sflag:s20], $0x2000  }
0x46: {  	[sflag:s20] =	ssyncset.done $0x0  }
0x47: {  	[sflag:s20] =	ssyncadd.s32 $0xFFFFE000  }
0x48: {  	[hbm4b:s6+s2] =	stream.linear.scatter [tilespmem:s22], [sflag:$0x2], $0xA000, $0x38;
	[tilespmem:$0x15900] =	vst v63  }
0x49: {  	_ =	swait.ge [sflag:s1], $0xA000  }
0x4a: {  	[sflag:s1] =	ssyncset.done $0x0  }
0x4b: {  	s14 =	simm.s32 $0x500;
	[sflag:s1] =	ssyncadd.s32 $0xFFFF6000  }
0x4c: {  	[tilespmem:s12], [sflag:$0x1] =	stream.indirect.gather [hbm4b:s3+s11], $0x40, s14, s11, $0xb8;
	[tilespmem:$0x15900] =	vst v63  }
0x4d: {  	s16 =	simm.s32 $0x580  }
0x4e: {  	[tilespmem:s13], [sflag:$0x1] =	stream.indirect.gather [hbm4b:s3+s11], $0x40, s16, s11, $0xb8;
	[tilespmem:$0x15900] =	vst v63  }
0x4f: {  	s18 =	simm.s32 $0x600  }
0x50: {  	[tilespmem:s15], [sflag:$0x1] =	stream.indirect.gather [hbm4b:s3+s11], $0x40, s18, s11, $0xb8;
	[tilespmem:$0x15900] =	vst v63  }
0x51: {  	s23 =	simm.s32 $0x680  }
0x52: {  	[tilespmem:s17], [sflag:$0x1] =	stream.indirect.gather [hbm4b:s3+s11], $0x40, s23, s11, $0xb8;
	[tilespmem:$0x15900] =	vst v63  }
0x53: {  	s25 =	simm.s32 $0x700  }
0x54: {  	[tilespmem:s19], [sflag:$0x1] =	stream.indirect.gather [hbm4b:s3+s11], $0x40, s25, s11, $0xb8;
	[tilespmem:$0x15900] =	vst v63  }
0x55: {  	_ =	swait.ge [sflag:s20], $0x2000  }
0x56: {  	[sflag:s20] =	ssyncset.done $0x0  }
0x57: {  	[sflag:s20] =	ssyncadd.s32 $0xFFFFE000  }
0x58: {  	_ =	swait.ge [sflag:s20], $0x2000  }
0x59: {  	[sflag:s20] =	ssyncset.done $0x0  }
0x5a: {  	[sflag:s20] =	ssyncadd.s32 $0xFFFFE000  }
0x5b: {  	_ =	swait.ge [sflag:s20], $0x2000  }
0x5c: {  	[sflag:s20] =	ssyncset.done $0x0  }
0x5d: {  	[sflag:s20] =	ssyncadd.s32 $0xFFFFE000  }
0x5e: {  	_ =	swait.ge [sflag:s20], $0x2000  }
0x5f: {  	[sflag:s20] =	ssyncset.done $0x0  }
0x60: {  	[sflag:s20] =	ssyncadd.s32 $0xFFFFE000  }
0x61: {  	_ =	swait.ge [sflag:s20], $0x2000  }
0x62: {  	[sflag:s20] =	ssyncset.done $0x0  }
0x63: {  	[sflag:s20] =	ssyncadd.s32 $0xFFFFE000  }
0x64: {  	[hbm4b:s9+s2] =	stream.linear.scatter [tilespmem:s12], [sflag:$0x2], $0xA000, $0x38;
	[tilespmem:$0x15900] =	vst v63  }
0x65: {  	_ =	swait.ge [sflag:s1], $0xA000  }
0x66: {  	[sflag:s1] =	ssyncset.done $0x0  }
0x67: {  	s14 =	simm.s32 $0x780;
	[sflag:s1] =	ssyncadd.s32 $0xFFFF6000  }
0x68: {  	[tilespmem:s22], [sflag:$0x1] =	stream.indirect.gather [hbm4b:s3+s11], $0x40, s14, s11, $0xb8;
	[tilespmem:$0x15900] =	vst v63  }
0x69: {  	s16 =	simm.s32 $0x800  }
0x6a: {  	[tilespmem:s24], [sflag:$0x1] =	stream.indirect.gather [hbm4b:s3+s11], $0x40, s16, s11, $0xb8;
	[tilespmem:$0x15900] =	vst v63  }
0x6b: {  	s18 =	simm.s32 $0x880  }
0x6c: {  	[tilespmem:s26], [sflag:$0x1] =	stream.indirect.gather [hbm4b:s3+s11], $0x40, s18, s11, $0xb8;
	[tilespmem:$0x15900] =	vst v63  }
0x6d: {  	s23 =	simm.s32 $0x900  }
0x6e: {  	[tilespmem:s29], [sflag:$0x1] =	stream.indirect.gather [hbm4b:s3+s11], $0x40, s23, s11, $0xb8;
	[tilespmem:$0x15900] =	vst v63  }
0x6f: {  	s25 =	simm.s32 $0x980  }
0x70: {  	[tilespmem:s31], [sflag:$0x1] =	stream.indirect.gather [hbm4b:s3+s11], $0x40, s25, s11, $0xb8;
	[tilespmem:$0x15900] =	vst v63  }
0x71: {  	_ =	swait.ge [sflag:s20], $0x2000  }
0x72: {  	[sflag:s20] =	ssyncset.done $0x0  }
0x73: {  	[sflag:s20] =	ssyncadd.s32 $0xFFFFE000  }
0x74: {  	_ =	swait.ge [sflag:s20], $0x2000  }
0x75: {  	[sflag:s20] =	ssyncset.done $0x0  }
0x76: {  	[sflag:s20] =	ssyncadd.s32 $0xFFFFE000  }
0x77: {  	_ =	swait.ge [sflag:s20], $0x2000  }
0x78: {  	[sflag:s20] =	ssyncset.done $0x0  }
0x79: {  	[sflag:s20] =	ssyncadd.s32 $0xFFFFE000  }
0x7a: {  	_ =	swait.ge [sflag:s20], $0x2000  }
0x7b: {  	[sflag:s20] =	ssyncset.done $0x0  }
0x7c: {  	[sflag:s20] =	ssyncadd.s32 $0xFFFFE000  }
0x7d: {  	_ =	swait.ge [sflag:s20], $0x2000  }
0x7e: {  	s8 =	smov.u32 s21;
	s14 =	simm.s32 $0x1400;
	[sflag:s20] =	ssyncset.done $0x0  }
0x7f: {  	s16 =	sadd.s32 $0x2800, s21;
	s18 =	sadd.s32 $0x2800, s9;
	[sflag:s20] =	ssyncadd.s32 $0xFFFFE000  }
.LBB2_2:
0x80: {  	[hbm4b:s8+s2] =	stream.linear.scatter [tilespmem:s22], [sflag:$0x2], $0xA000, $0x38;
	[tilespmem:$0x15900] =	vst v63  }
0x81: {  	s23 =	smov.u32 s14;
	s8 =	smov.u32 s16  }
0x82: {  	p0 =	sne.s32 s14, $0x3C00;
	s14 =	sadd.s32 $0x1400, s14;
	_ =	swait.ge [sflag:s1], $0xA000  }
0x83: {  	s23 =	sshra.s32 s23, $0x2;
	[sflag:s1] =	ssyncset.done $0x0  }
0x84: {  	s25 =	sadd.s32 $0x500, s23;
	[sflag:s1] =	ssyncadd.s32 $0xFFFF6000  }
0x85: {  	[tilespmem:s12], [sflag:$0x1] =	stream.indirect.gather [hbm4b:s3+s11], $0x40, s25, s11, $0xb8;
	[tilespmem:$0x15900] =	vst v63  }
0x86: {  	s25 =	sadd.s32 $0x580, s23  }
0x87: {  	[tilespmem:s13], [sflag:$0x1] =	stream.indirect.gather [hbm4b:s3+s11], $0x40, s25, s11, $0xb8;
	[tilespmem:$0x15900] =	vst v63  }
0x88: {  	s25 =	sadd.s32 $0x600, s23  }
0x89: {  	[tilespmem:s15], [sflag:$0x1] =	stream.indirect.gather [hbm4b:s3+s11], $0x40, s25, s11, $0xb8;
	[tilespmem:$0x15900] =	vst v63  }
0x8a: {  	s25 =	sadd.s32 $0x680, s23  }
0x8b: {  	[tilespmem:s17], [sflag:$0x1] =	stream.indirect.gather [hbm4b:s3+s11], $0x40, s25, s11, $0xb8;
	[tilespmem:$0x15900] =	vst v63  }
0x8c: {  	s25 =	sadd.s32 $0x700, s23  }
0x8d: {  	[tilespmem:s19], [sflag:$0x1] =	stream.indirect.gather [hbm4b:s3+s11], $0x40, s25, s11, $0xb8;
	[tilespmem:$0x15900] =	vst v63  }
0x8e: {  	_ =	swait.ge [sflag:s20], $0x2000  }
0x8f: {  	[sflag:s20] =	ssyncset.done $0x0  }
0x90: {  	[sflag:s20] =	ssyncadd.s32 $0xFFFFE000  }
0x91: {  	_ =	swait.ge [sflag:s20], $0x2000  }
0x92: {  	[sflag:s20] =	ssyncset.done $0x0  }
0x93: {  	[sflag:s20] =	ssyncadd.s32 $0xFFFFE000  }
0x94: {  	_ =	swait.ge [sflag:s20], $0x2000  }
0x95: {  	[sflag:s20] =	ssyncset.done $0x0  }
0x96: {  	[sflag:s20] =	ssyncadd.s32 $0xFFFFE000  }
0x97: {  	_ =	swait.ge [sflag:s20], $0x2000  }
0x98: {  	[sflag:s20] =	ssyncset.done $0x0  }
0x99: {  	[sflag:s20] =	ssyncadd.s32 $0xFFFFE000  }
0x9a: {  	_ =	swait.ge [sflag:s20], $0x2000  }
0x9b: {  	[sflag:s20] =	ssyncset.done $0x0  }
0x9c: {  	[sflag:s20] =	ssyncadd.s32 $0xFFFFE000  }
0x9d: {  	[hbm4b:s18+s2] =	stream.linear.scatter [tilespmem:s12], [sflag:$0x2], $0xA000, $0x38;
	[tilespmem:$0x15900] =	vst v63  }
0x9e: {  	_ =	swait.ge [sflag:s1], $0xA000  }
0x9f: {  	[sflag:s1] =	ssyncset.done $0x0  }
0xa0: {  	s25 =	sadd.s32 $0x780, s23;
	[sflag:s1] =	ssyncadd.s32 $0xFFFF6000  }
0xa1: {  	[tilespmem:s22], [sflag:$0x1] =	stream.indirect.gather [hbm4b:s3+s11], $0x40, s25, s11, $0xb8;
	[tilespmem:$0x15900] =	vst v63  }
0xa2: {  	s25 =	sadd.s32 $0x800, s23  }
0xa3: {  	[tilespmem:s24], [sflag:$0x1] =	stream.indirect.gather [hbm4b:s3+s11], $0x40, s25, s11, $0xb8;
	[tilespmem:$0x15900] =	vst v63  }
0xa4: {  	s25 =	sadd.s32 $0x880, s23  }
0xa5: {  	[tilespmem:s26], [sflag:$0x1] =	stream.indirect.gather [hbm4b:s3+s11], $0x40, s25, s11, $0xb8;
	[tilespmem:$0x15900] =	vst v63  }
0xa6: {  	s25 =	sadd.s32 $0x900, s23  }
0xa7: {  	[tilespmem:s29], [sflag:$0x1] =	stream.indirect.gather [hbm4b:s3+s11], $0x40, s25, s11, $0xb8;
	[tilespmem:$0x15900] =	vst v63  }
0xa8: {  	s23 =	sadd.s32 $0x980, s23  }
0xa9: {  	[tilespmem:s31], [sflag:$0x1] =	stream.indirect.gather [hbm4b:s3+s11], $0x40, s23, s11, $0xb8;
	[tilespmem:$0x15900] =	vst v63  }
0xaa: {  	_ =	swait.ge [sflag:s20], $0x2000  }
0xab: {  	[sflag:s20] =	ssyncset.done $0x0  }
0xac: {  	[sflag:s20] =	ssyncadd.s32 $0xFFFFE000  }
0xad: {  	_ =	swait.ge [sflag:s20], $0x2000  }
0xae: {  	[sflag:s20] =	ssyncset.done $0x0  }
0xaf: {  	[sflag:s20] =	ssyncadd.s32 $0xFFFFE000  }
0xb0: {  	_ =	swait.ge [sflag:s20], $0x2000  }
0xb1: {  	[sflag:s20] =	ssyncset.done $0x0  }
0xb2: {  	[sflag:s20] =	ssyncadd.s32 $0xFFFFE000  }
0xb3: {  	_ =	swait.ge [sflag:s20], $0x2000  }
.Ltmp0:
0xb4: {  	[sflag:s20] =	ssyncset.done $0x0;
	(pc) =	sbr.rel @p0 .LBB2_2-.Ltmp0, $4  }
0xb5: {  	[sflag:s20] =	ssyncadd.s32 $0xFFFFE000  }
0xb6: {  	_ =	swait.ge [sflag:s20], $0x2000  }
0xb7: {  	[sflag:s20] =	ssyncset.done $0x0  }
0xb8: {  	s16 =	sadd.s32 $0x2800, s16;
	s18 =	sadd.s32 $0x2800, s18;
	[sflag:s20] =	ssyncadd.s32 $0xFFFFE000  }
0xb9: {  	[hbm4b:s8+s2] =	stream.linear.scatter [tilespmem:s22], [sflag:$0x2], $0xA000, $0x38;
	[tilespmem:$0x15900] =	vst v63  }
0xba: {  	s0 =	sadd.s32 $0x1, s0  }
0xbb: {  	_ =	swait.ge [sflag:s1], $0xA000;
	p0 =	sne.s32 s0, s7  }
.Ltmp1:
0xbc: {  	[sflag:s1] =	ssyncset.done $0x0;
	(pc) =	sbr.rel @p0 .LBB2_1-.Ltmp1, $4  }
0xbd: {  	[sflag:s1] =	ssyncadd.s32 $0xFFFF6000  }
0xbe: {  	_ =	swait.ge [sflag:s1], $0xA000  }
0xbf: {  	[sflag:s1] =	ssyncset.done $0x0  }
0xc0: {  	[sflag:s1] =	ssyncadd.s32 $0xFFFF6000  }
0xc1: {  	_ =	sfence.sel $0x180000  }
0xc2: {  	[bflag:$0x0] =	sbarrier.arrive $0xFFFF  }
0xc3: {  	_ =	strace $0x90000047  }
0xc4: {  	s0 =	stileid.u32;
	[bflag:$0x2] =	sbarrier.arrive $0xFFFF  }
0xc5: {  	p0 =	sne.s32 s0, $0x0;
	s0 =	rddreg [dreg:$0x3]  }
0xc6: {  	s0 =	sadd.s32 @!p0 $0x100000, s0  }
0xc7: {  	[sflag:s0] =	ssyncadd.tile.s32 @!p0 $0x1;
	_ =	shalt  }
.Lfunc_end2:
_tile_overlayer_lowered:
.L_overlay_start_2:
0xc8: {  	(tag) =	ssettag $0x2  }
0xc9: {  	s0 =	rddreg [dreg:$0x0];
	s2 =	stileid.u32  }
0xca: {  	s1 =	rddreg [dreg:$0x1];
	p0 =	sne.s32 s2, $0x0  }
0xcb: {  	s3 =	rddreg [dreg:$0x2];
	[bflag:$0x3] =	sbarrier.arrive $0xFFFF;
	s2 =	simm.s32 @!p0 $0x1C03  }
0xcc: {  	[timem:s3], [sflag:s2] =	dma.local @!p0 [hbm:s0], s1  }
0xcd: {  	s0 =	simm.s32 @!p0 $0x3  }
0xce: {  	_ =	swait.ge @!p0 [sflag:s0], s1  }
0xcf: {  	s1 =	ssub.s32 @!p0 $0x0, s1;
	[sflag:s0] =	ssyncset.done @!p0 $0x0  }
0xd0: {  	[sflag:s0] =	ssyncadd.s32 @!p0 s1  }
0xd1: {  	[bflag:$0x3] =	sbarrier.arrive $0xFFFF  }
0xd2: {  	_ =	shalt  }

// kernel: sparse-core-data-format-call.cloned.1.call-start
scs
called_computation_lowered:
.L_overlay_start_0:
0x0: {  	s2 =	sld [smem:$0x3FD9]  }
0x1: {  	s3 =	sld [smem:$0x3FFE];
	_ =	sdelay $0x1  }
0x2: {  	s1 =	srdreg.scid  }
0x3: {  	s0 =	sand.u32 $0x1, s1  }
0x4: {  	s18 =	sshll.u32 s0, $0xA;
	s2 =	sadd.s32 s3, s2  }
0x5: {  	s2 =	sadd.s32 s2, s18  }
0x6: {  	[smem:$0x3FC6] =	sst s2  }
0x7: {  	_ = 	snop  }
0x8: {  	s2 =	sld [smem:$0x3FD0];
	(tm) =	ssettm $0x1  }
0x9: {  	s19 =	sld [smem:$0x3FFB];
	_ =	sdelay $0x3  }
0xa: {  	_ =	strace s19  }
0xb: {  	s3 =	sld [smem:$0x3FFC];
	_ =	sdelay $0x3  }
0xc: {  	_ =	strace s3  }
0xd: {  	s3 =	sld [smem:$0x3FFD];
	_ =	sdelay $0x3  }
0xe: {  	_ =	strace s3  }
0xf: {  	_ =	strace $0x8FFFFFFF  }
0x10: {  	s20 =	sld [smem:$0x3FDB];
	_ =	sdelay $0x1  }
0x11: {  	s4 =	simm.s32 $_scs_section_size  }
0x12: {  	s5 =	simm.s32 $_size__tile_overlayer_lowered;
	s6 =	simm.s32 $_tile_overlayer_lowered  }
0x13: {  	s23 =	simm.s32 $0x1BFF;
	s22 =	sshll.u32 s6, $0x1;
	s3 =	sadd.s32 s4, s20  }
0x14: {  	s7 =	simm.s32 $0x0;
	s21 =	sshll.u32 s5, $0x1;
	s5 =	sadd.s32 s22, s3  }
0x15: {  	[timem:s7], [sflag:s23] =	dma.local [hbm:s5], s21  }
0x16: {  	_ =	swait.ge [sflag:s23], s21  }
0x17: {  	s4 =	ssub.s32 $0x0, s21;
	[sflag:s23] =	ssyncset.done $0x0  }
0x18: {  	[sflag:s23] =	ssyncadd.s32 s4;
	_ =	sdelay $0x1  }
0x19: {  	s24 =	simm.s32 $0x1B8B  }
0x1a: {  	_ =	swait.ge [sflag:s24], $0x1  }
0x1b: {  	[sflag:s24] =	ssyncset.done $0x0  }
0x1c: {  	s26 =	simm.s32 $0x1B8E;
	s25 =	sld [smem:$0x3FFE];
	[sflag:s24] =	ssyncadd.s32 $0xFFFFFFFF  }
0x1d: {  	s27 =	simm.s32 $execute0_lowered;
	[smem:$0x3FD2] =	sst s26  }
0x1e: {  	s5 =	sshll.u32 s27, $0x1;
	_ =	strace $0x80000049;
	[dreg:$0x1] =	wrdreg $0xFFFFFFFF  }
0x1f: {  	s28 =	simm.s32 $_size_execute0_lowered;
	s3 =	sadd.s32 s3, s5;
	[dreg:$0x0] =	wrdreg $0x0  }
0x20: {  	s5 =	sshll.u32 s28, $0x1;
	[dreg:$0x2] =	wrdreg s3  }
0x21: {  	[dreg:$0x3] =	wrdreg s5  }
0x22: {  	[dreg:$0x4] =	wrdreg $0xC0  }
0x23: {  	_ =	task [dreg:s7], $0x5FFFF  }
0x24: {  	[dreg:$0x1] =	wrdreg $0xFFFFFFFF  }
0x25: {  	[dreg:$0x0] =	wrdreg $0x60  }
0x26: {  	[dreg:$0x2] =	wrdreg s25  }
0x27: {  	[dreg:$0x3] =	wrdreg s2  }
0x28: {  	[dreg:$0x4] =	wrdreg $0x9  }
0x29: {  	_ =	task.clear_ibuf [dreg:s7], $0x5FFFF;
	_ =	strace $0x90000049  }
0x2a: {  	s29 =	simm.s32 $0x9;
	_ =	strace $0x8000004B  }
0x2b: {  	_ =	swait.ge [sflag:s29], $0x1  }
0x2c: {  	[sflag:s29] =	ssyncadd.s32 $0xFFFFFFFF  }
0x2d: {  	_ =	strace $0x9000004B  }
0x2e: {  	_ =	sfence  }
0x2f: {  	s30 =	sld [smem:$0x0];
	_ =	sdelay $0x2  }
0x30: {  	s31 =	sshll.u32 s1, $0xD;
	s1 =	sshrl.u32 s1, $0x2  }
0x31: {  	s3 =	sand.u32 $0x4000, s31;
	s1 =	sadd.s32 s1, s30  }
0x32: {  	s0 =	sor.u32 s3, s0;
	s1 =	sshll.u32 s1, $0x11  }
0x33: {  	s0 =	sor.u32 s1, s0  }
0x34: {  	s0 =	sadd.s32 $0x8F2B, s0  }
0x35: {  	[sflag:s0] =	ssyncadd.remote.s32 $0x1  }
0x36: {  	_ =	sfence.sel $0xFFFF  }
0x37: {  	[dreg:$0x0] =	wrdreg $0xFFFFFFFF;
	(pc) =	sbr.abs _section_cstart, $3  }
0x38: {  	[dreg:$0x1] =	wrdreg $0xFFFFFFFF  }
0x39: {  	_ =	task.clear_ibuf [dreg:s7], $0x2FFFF;
	_ =	strace $0x9FFFFFFF  }
0x3a: {  	(tm) =	ssettm $0x7FFFFFFF  }
0x3b: {  	_ =	shalt  }
tec
execute0_lowered:
.L_overlay_start_1:
0x0: {  	(tag) =	ssettag $0x1  }
0x1: {  	s0 =	srdreg.scid  }
0x2: {  	s1 =	sshll.u32 s0, $0x4  }
0x3: {  	s4 =	rddreg [dreg:$0x0];
	s0 =	stileid.u32;
	s1 =	sand.u32 $0x10, s1  }
0x4: {  	s2 =	rddreg [dreg:$0x1];
	s7 =	simm.s32 $0x1;
	s1 =	sor.u32 s0, s1  }
0x5: {  	s8 =	simm.s32 $0x2;
	s11 =	simm.s32 $0x0;
	s3 =	sshll.u32 s1, $0x7  }
0x6: {  	s10 =	simm.s32 $0x0;
	s4 =	sadd.s32 $0x800, s4;
	s6 =	ssub.s32 $0x32000, s3  }
.Ltmp0:
0x7: {  	s1 =	rddreg [dreg:$0x2];
	s5 =	sand.u32 $0xF80, s6;
	(pc) =	sbr.rel .LBB1_1-.Ltmp0, $4  }
0x8: {  	_ =	strace $0x8000004A;
	s9 =	smov.u32 s3;
	p0 =	sne.s32 s5, $0x0  }
0x9: {  	s6 =	sshrl.u32 s6, $0xC;
	s5 =	simm.s32 $0x1;
	s7 =	simm.s32 @!p0 $0x0  }
0xa: {  	[sflag:s5] =	ssyncpa.u1 $0x0;
	p0 =	por $0x0, $0x0;
	s6 =	sadd.s32 s7, s6  }
0xb: {  	[sflag:s8] =	ssyncpa.u1 $0x0;
	s8 =	simm.s32 $0x190000;
	s7 =	sadd.s32 $0x1, s6  }
.LBB1_4:
0xc: {  	s14 =	sshll.u32 s11, $0x3  }
0xd: {  	s30 =	sand.u32 $0x7F, s11;
	s15 =	sand.u32 $0xFFFFFC00, s14  }
0xe: {  	s11 =	sor.u32 s30, s15  }
0xf: {  	s15 =	smulhi.u32 $0x51EB851F, s11  }
0x10: {  	s14 =	smulhi.u32 $0x51EB851F, s14  }
0x11: {  	s15 =	sshrl.u32 s15, $0x10  }
0x12: {  	s14 =	sshrl.u32 s14, $0x10;
	s15 =	smul.u32 $0x32000, s15  }
0x13: {  	s14 =	sand.u32 $0x3F, s14  }
0x14: {  	s14 =	smul.u32 $0x6400, s14;
	s11 =	ssub.s32 s11, s15  }
0x15: {  	[tilespmem:s13+$0x810 ss:$0x81] =	vst.msk $0xffff, v2;
	s15 =	sand.u32 $0x7, s11  }
0x16: {  	[tilespmem:s13+$0x1020 ss:$0x81] =	vst.msk $0xffff, v0;
	s14 =	sadd.s32 s2, s14;
	s11 =	sshrl.u32 s11, $0x3;
	s15 =	sshll.u32 s15, $0x12  }
0x17: {  	[tilespmem:s13+$0x0 ss:$0x81] =	vst.msk $0xffff, v1;
	s11 =	sadd.s32 s11, s14;
	s31 =	sor.u32 $0x400, s15  }
0x18: {  	[hbm4b:s11+s31] =	stream.strided.scatter [tilespmem:s12], [sflag:$0x2], $0x2000, s8, s31, $0x20;
	[tilespmem:$0x8080] =	vst v63  }
.LBB1_5:
0x19: {  	s13 =	sadd.s32 $0x1000, s9  }
0x1a: {  	p2 =	sgt.s32 s13, $0x31FFF  }
0x1b: {  	s13 =	smov.u32 @p2 s3;
	p2 =	sne.s32 s10, s7  }
.Ltmp1:
0x1c: {  	p1 =	slt.u32 s10, $0x2;
	(pc) =	sbr.rel @!p2 .LBB1_6-.Ltmp1, $4  }
0x1d: {  	s12 =	simm.s32 @!p1 $0x2  }
0x1e: {  	s14 =	sadd.s32 $0x1, s10;
	_ =	swait.ge @!p1 [sflag:s12], $0x2000  }
0x1f: {  	s11 =	smov.u32 s9;
	p0 =	por !p0, !p0;
	[sflag:s12] =	ssyncset.done @!p1 $0x0  }
0x20: {  	s10 =	smov.u32 s14;
	s9 =	smov.u32 s13;
	[sflag:s12] =	ssyncadd.s32 @!p1 $0xFFFFE000  }
.LBB1_1:
0x21: {  	p1 =	sge.u32 s10, s6  }
0x22: {  	s12 =	sand.u32 @!p1 $0x1FFFFFF, s9  }
0x23: {  	s13 =	smulhi.u32 @!p1 $0x147AE15, s12;
	_ =	sdelay $0x1  }
0x24: {  	s13 =	sshrl.u32 @!p1 s13, $0xA  }
0x25: {  	s13 =	smul.u32 @!p1 $0x32000, s13;
	_ =	sdelay $0x1  }
0x26: {  	s31 =	sadd.s32 $0xFFFFFFFF, s10;
	s14 =	sxor.u32 @!p1 $0xFFFFFFFF, s10;
	s12 =	ssub.s32 @!p1 s12, s13  }
0x27: {  	s15 =	simm.s32 @!p1 $0x80;
	s14 =	sshll.u32 @!p1 s14, $0xD;
	s12 =	sshll.u32 @!p1 s12, $0x4  }
0x28: {  	s13 =	sand.u32 @!p1 $0x2000, s14;
	s14 =	simm.s32 @!p1 $0x40;
	s12 =	sadd.s32 @!p1 s4, s12  }
0x29: {  	[tilespmem:s13], [sflag:$0x1] =	stream.strided.gather @!p1 [hbm4b:s12+s14], $0x2000, s15, s14, $0x38;
	[tilespmem:$0x8080] =	vst v63  }
0x2a: {  	p1 =	sge.u32 s31, s6  }
.Ltmp2:
0x2b: {  	_ = 	snop;
	(pc) =	sbr.rel @p1 .LBB1_5-.Ltmp2, $1  }
0x2c: {  	_ =	sdelay $0x3  }
0x2d: {  	s12 =	simm.s32 $0x1  }
0x2e: {  	_ =	swait.ge [sflag:s5], $0x2000;
	s12 =	simm.s32 @!p0 $0x0  }
0x2f: {  	[sflag:s5] =	ssyncset.done $0x0;
	s13 =	sshll.u32 s12, $0xD  }
0x30: {  	[sflag:s5] =	ssyncadd.s32 $0xFFFFE000;
	s16 =	sor.u32 $0x20, s13  }
0x31: {  	s12 =	smul.u32 $0x8100, s12;
	v3 =	vld [tilespmem:s16+$0x10]  }
0x32: {  	s30 =	sand.u32 $0x1, s10;
	v2 =	vld [tilespmem:s16+$0xFFFFFFF0]  }
0x33: {  	s13 =	smul.u32 $0x8100, s30;
	s12 =	sshrl.u32 s12, $0x2;
	v0 =	vld [tilespmem:s16+$0x0]  }
0x34: {  	v1 =	vld [tilespmem:s16+$0xFFFFFFE0];
	s14 =	sor.u32 $0x4000, s12  }
0x35: {  	s31 =	sshrl.u32 s13, $0x2;
	s13 =	sadd.s32 $0x0, s14  }
0x36: {  	s15 =	simm.s32 $0x4;
	s16 =	sadd.s32 $0x40, s16;
	s12 =	sor.u32 $0x4000, s31;
	[tilespmem:s13+$0x1830 ss:$0x81] =	vst.msk $0xffff, v3  }
.LBB1_3:
0x37: {  	v3 =	vld [tilespmem:s16+$0x10];
	p1 =	sne.s32 s15, $0x1FC;
	[tilespmem:s13+$0x810 ss:$0x81] =	vst.msk $0xffff, v2;
	s17 =	smov.u32 s15;
	s15 =	sadd.s32 $0x4, s15  }
.Ltmp3:
0x38: {  	v2 =	vld [tilespmem:s16+$0xFFFFFFF0];
	[tilespmem:s13+$0x1020 ss:$0x81] =	vst.msk $0xffff, v0;
	(pc) =	sbr.rel @p1 .LBB1_3-.Ltmp3, $4  }
0x39: {  	v0 =	vld [tilespmem:s16+$0x0];
	[tilespmem:s13+$0x0 ss:$0x81] =	vst.msk $0xffff, v1  }
0x3a: {  	s13 =	sshra.s32 s17, $0x2;
	v1 =	vld [tilespmem:s16+$0xFFFFFFE0]  }
0x3b: {  	s13 =	sadd.s32 s13, s14  }
0x3c: {  	s16 =	sadd.s32 $0x40, s16;
	[tilespmem:s13+$0x1830 ss:$0x81] =	vst.msk $0xffff, v3  }
.Ltmp4:
0x3d: {  	_ = 	snop;
	(pc) =	sbr.rel .LBB1_4-.Ltmp4, $1  }
0x3e: {  	_ =	sdelay $0x3  }
.LBB1_6:
0x3f: {  	_ =	sfence.sel $0x180000  }
0x40: {  	s2 =	simm.s32 $0x1;
	[bflag:$0x0] =	sbarrier.arrive $0xFFFF  }
0x41: {  	s31 =	simm.s32 $0x2;
	[sflag:s2] =	ssyncpa.u1 $0x1  }
0x42: {  	[sflag:s31] =	ssyncpa.u1 $0x1  }
0x43: {  	p0 =	sne.s32 s0, $0x0;
	_ =	strace $0x9000004A  }
0x44: {  	s0 =	sadd.s32 @!p0 $0x100000, s1;
	[bflag:$0x2] =	sbarrier.arrive $0xFFFF  }
0x45: {  	[sflag:s0] =	ssyncadd.tile.s32 @!p0 $0x1;
	_ =	shalt  }
.Lfunc_end1:
_tile_overlayer_lowered:
.L_overlay_start_2:
0x46: {  	(tag) =	ssettag $0x2  }
0x47: {  	s0 =	rddreg [dreg:$0x0];
	s2 =	stileid.u32  }
0x48: {  	s1 =	rddreg [dreg:$0x1];
	p0 =	sne.s32 s2, $0x0  }
0x49: {  	s3 =	rddreg [dreg:$0x2];
	[bflag:$0x3] =	sbarrier.arrive $0xFFFF;
	s2 =	simm.s32 @!p0 $0x1C01  }
0x4a: {  	[timem:s3], [sflag:s2] =	dma.local @!p0 [hbm:s0], s1  }
0x4b: {  	s0 =	simm.s32 @!p0 $0x1  }
0x4c: {  	_ =	swait.ge @!p0 [sflag:s0], s1  }
0x4d: {  	s1 =	ssub.s32 @!p0 $0x0, s1;
	[sflag:s0] =	ssyncset.done @!p0 $0x0  }
0x4e: {  	[sflag:s0] =	ssyncadd.s32 @!p0 s1  }
0x4f: {  	[bflag:$0x3] =	sbarrier.arrive $0xFFFF  }
0x50: {  	_ =	shalt  }

</sc_bundles>
